<compile_context>
chip_gen: v7x
topology: tpu7x:2x2x1
jax: 0.10.2.dev20260603
libtpu: 0.0.44.dev20260713+nightly
codegen_flags: <defaults>
</compile_context>

<pallas_src>
import functools

import jax
import jax.numpy as jnp
from jax import lax
from jax.experimental import pallas as pl
from jax.experimental.pallas import tpu as pltpu
from jax.experimental.pallas import tpu_sc as plsc

NC = 2
NS = 16
LANES = 16
CHUNK = 128
CROWS = 10240
NBUF = 2
IBUF = 4


def _sc_segment_sum(N, EP, C, NB):
    NPAD = -(-N // (NS * 8)) * (NS * 8)
    RPT = NPAD // NS
    CPT = CROWS // NS

    @functools.partial(
        pl.kernel,
        out_type=(
            jax.ShapeDtypeStruct((NC, NS, RPT, C), jnp.float32),
            jax.ShapeDtypeStruct((NC, NS, CPT), jnp.float32),
        ),
        mesh=plsc.VectorSubcoreMesh(core_axis_name="c", subcore_axis_name="s"),
        scratch_types=[
            pltpu.VMEM((IBUF, CHUNK), jnp.int32),
            pltpu.VMEM((NB, CHUNK), jnp.int32),
            pltpu.VMEM((NBUF, CHUNK, C), jnp.float32),
            pltpu.VMEM((CHUNK,), jnp.float32),
            pltpu.VMEM_SHARED((NPAD, C), jnp.float32),
            pltpu.VMEM_SHARED((CROWS,), jnp.float32),
            pltpu.SemaphoreType.DMA((IBUF,)),
            pltpu.SemaphoreType.DMA((NBUF,)),
            pltpu.SemaphoreType.DMA((NBUF,)),
            pltpu.SemaphoreType.DMA((NBUF,)),
        ],
    )
    def sc_kernel(ytab, gat3, sct3, zrows, zdeg,
                  msg_out, deg_out,
                  gatb, sctb, rowsb, onesb, acc, cnt1,
                  isem, gsem, ssem, csem):
        c = lax.axis_index("c")
        s = lax.axis_index("s")
        w = c * NS + s

        pltpu.sync_copy(zrows, acc.at[pl.ds(s * RPT, RPT)])
        pltpu.sync_copy(zdeg.at[pl.ds(s * CPT, CPT)],
                        cnt1.at[pl.ds(s * CPT, CPT)])
        for k in range(CHUNK // LANES):
            onesb[pl.ds(k * LANES, LANES)] = jnp.full((LANES,), 1.0,
                                                      jnp.float32)
        pltpu.sync_copy(sct3.at[w], sctb)
        plsc.subcore_barrier()

        pltpu.sync_copy(gat3.at[w, 0], gatb.at[0])
        pltpu.sync_copy(gat3.at[w, 1], gatb.at[1])
        pltpu.async_copy(ytab.at[gatb.at[0]], rowsb.at[0], gsem.at[0])
        pltpu.async_copy(ytab.at[gatb.at[1]], rowsb.at[1], gsem.at[1])

        def chunk_body(i, carry):
            k = lax.rem(i, NBUF)
            j = 1 - k
            ri = lax.rem(i, IBUF)
            r1 = lax.rem(i + 1, IBUF)
            r2 = lax.rem(i + 2, IBUF)

            pltpu.make_async_copy(ytab.at[gatb.at[ri]], rowsb.at[k],
                                  gsem.at[k]).wait()
            pltpu.async_copy(rowsb.at[k], acc.at[sctb.at[i]], ssem.at[k],
                             add=True)
            pltpu.async_copy(onesb, cnt1.at[sctb.at[i]], csem.at[k],
                             add=True)

            @pl.when(i >= 1)
            def _():
                pltpu.make_async_copy(rowsb.at[j], acc.at[sctb.at[i - 1]],
                                      ssem.at[j]).wait()
                pltpu.make_async_copy(onesb, cnt1.at[sctb.at[i - 1]],
                                      csem.at[j]).wait()

            @pl.when((i >= 1) & (i + 1 < NB))
            def _():
                pltpu.make_async_copy(gat3.at[w, i + 1], gatb.at[r1],
                                      isem.at[r1]).wait()
                pltpu.async_copy(ytab.at[gatb.at[r1]], rowsb.at[j],
                                 gsem.at[j])

            @pl.when(i + 2 < NB)
            def _():
                pltpu.async_copy(gat3.at[w, i + 2], gatb.at[r2],
                                 isem.at[r2])

            return carry

        lax.fori_loop(0, NB, chunk_body, 0)
        kl = (NB - 1) % NBUF
        pltpu.make_async_copy(rowsb.at[kl], acc.at[sctb.at[NB - 1]],
                              ssem.at[kl]).wait()
        pltpu.make_async_copy(onesb, cnt1.at[sctb.at[NB - 1]],
                              csem.at[kl]).wait()
        plsc.subcore_barrier()

        pltpu.sync_copy(acc.at[pl.ds(s * RPT, RPT)], msg_out.at[c, s])
        pltpu.sync_copy(cnt1.at[pl.ds(s * CPT, CPT)], deg_out.at[c, s])

    return sc_kernel


def _tc_build_y(N, C, R):
    def body(xb, wt, bt, out):
        out[:] = jnp.dot(xb[:], wt[0], preferred_element_type=jnp.float32) + bt[0]

    return pl.pallas_call(
        body,
        grid=(2, N // R),
        in_specs=[
            pl.BlockSpec((R, C), lambda t, j: (j, 0)),
            pl.BlockSpec((1, C, C), lambda t, j: (t, 0, 0)),
            pl.BlockSpec((1, 1, C), lambda t, j: (t, 0, 0)),
        ],
        out_specs=pl.BlockSpec((R, C), lambda t, j: (t * (N // R) + j, 0)),
        out_shape=jax.ShapeDtypeStruct((2 * N, C), jnp.float32),
    )


def _tc_finish(N, C, R):
    def body(m0, m1, xb, d0, d1, wself, bs, out):
        acc = jnp.dot(xb[:], wself[:], preferred_element_type=jnp.float32)
        acc += m0[:] + m1[:] + bs[:]
        deg = d0[:] + d1[:]
        deg = jnp.where(deg == 0.0, 1.0, deg)
        out[:] = jnp.maximum(acc, 0.0) / deg

    row = lambda i: (i, 0)
    full = lambda i: (0, 0)
    return pl.pallas_call(
        body,
        grid=(N // R,),
        in_specs=[
            pl.BlockSpec((R, C), row), pl.BlockSpec((R, C), row),
            pl.BlockSpec((R, C), row),
            pl.BlockSpec((R, 1), row), pl.BlockSpec((R, 1), row),
            pl.BlockSpec((C, C), full), pl.BlockSpec((1, C), full),
        ],
        out_specs=pl.BlockSpec((R, C), row),
        out_shape=jax.ShapeDtypeStruct((N, C), jnp.float32),
    )


def kernel(x, edge_index, edge_types, W_e0, b_e0, W_e1, b_e1, W_self, b_self):
    N, C = x.shape
    E = edge_index.shape[1]
    NPAD = -(-N // (NS * 8)) * (NS * 8)
    RPT = NPAD // NS
    W = NC * NS
    EP = -(-E // (W * CHUNK)) * (W * CHUNK)
    NB = EP // (W * CHUNK)

    wt = jnp.stack([W_e0.T, W_e1.T])
    bt = jnp.stack([b_e0, b_e1]).reshape(2, 1, C)
    ytab = _tc_build_y(N, C, 2000)(x, wt, bt)

    src = edge_index[0]
    dst = edge_index[1]
    gat = jnp.concatenate([edge_types * N + src,
                           jnp.zeros((EP - E,), jnp.int32)])
    sct = jnp.concatenate([dst, jnp.full((EP - E,), N, jnp.int32)])
    gat3 = gat.reshape(W, NB, CHUNK)
    sct3 = sct.reshape(W, NB, CHUNK)

    zrows = jnp.zeros((RPT, C), jnp.float32)
    zdeg = jnp.zeros((CROWS,), jnp.float32)

    msg, degc = _sc_segment_sum(N, EP, C, NB)(ytab, gat3, sct3, zrows, zdeg)
    msg = msg.reshape(NC, NPAD, C)
    degc = degc.reshape(NC, CROWS)

    out = _tc_finish(N, C, 2000)(
        msg[0, :N], msg[1, :N], x,
        degc[0, :N].reshape(N, 1), degc[1, :N].reshape(N, 1),
        W_self.T, b_self.reshape(1, C))
    return out

# --- scband reference (transcript-rebuilt; emitter-appended) ---
"""Pipeline reference for scband-edge-type-graph-conv-73409581023701 (READ-ONLY COPY).

The authoritative reference and input builder live on the scoring server;
editing this copy changes nothing except your own understanding.
"""

import jax, jax.numpy as jnp
import numpy as np

N, E, C_IN, C_OUT, NUM_EDGE_TYPES = 10000, 320000, 128, 128, 2


def setup_inputs(seed: int = 0) -> dict:
    key = jax.random.key(seed)
    ks = jax.random.split(key, 10)
    x = jax.random.normal(ks[0], (N, C_IN), dtype=jnp.float32)
    edge_index = jax.random.randint(ks[1], (2, E), 0, N, dtype=jnp.int32)
    edge_types = jax.random.randint(ks[2], (E,), 0, NUM_EDGE_TYPES, dtype=jnp.int32)
    s = 1.0 / np.sqrt(C_IN)
    W_e0 = jax.random.uniform(ks[3], (C_OUT, C_IN), jnp.float32, -s, s)
    b_e0 = jax.random.uniform(ks[4], (C_OUT,), jnp.float32, -s, s)
    W_e1 = jax.random.uniform(ks[5], (C_OUT, C_IN), jnp.float32, -s, s)
    b_e1 = jax.random.uniform(ks[6], (C_OUT,), jnp.float32, -s, s)
    W_self = jax.random.uniform(ks[7], (C_OUT, C_IN), jnp.float32, -s, s)
    b_self = jax.random.uniform(ks[8], (C_OUT,), jnp.float32, -s, s)
    return {"x": x, "edge_index": edge_index, "edge_types": edge_types,
            "W_e0": W_e0, "b_e0": b_e0, "W_e1": W_e1, "b_e1": b_e1,
            "W_self": W_self, "b_self": b_self}


def reference(x, edge_index, edge_types, W_e0, b_e0, W_e1, b_e1, W_self, b_self):
    num_nodes = x.shape[0]
    src = edge_index[0]
    dst = edge_index[1]
    out = jnp.zeros((num_nodes, W_e0.shape[0]), dtype=x.dtype)
    per_type = [(W_e0, b_e0), (W_e1, b_e1)]
    for t, (W, b) in enumerate(per_type):
        mask = (edge_types == t).astype(x.dtype)[:, None]
        # linear on gathered src features, masked so only edges of this type contribute
        messages = (x[src] @ W.T + b) * mask
        out = out.at[dst].add(messages)
    out = out + x @ W_self.T + b_self
    # normalize by destination in-degree (over ALL edges, matching torch reference)
    degrees = jnp.zeros((num_nodes,), dtype=x.dtype).at[dst].add(jnp.ones((dst.shape[0],), dtype=x.dtype))
    degrees = jnp.where(degrees == 0, jnp.ones_like(degrees), degrees)
    out = out / degrees[:, None]
    return jax.nn.relu(out)

if __name__ == "__main__":
    import jax
    _d = setup_inputs()
    print(jax.jit(kernel)(*tuple(_d.values())))

</pallas_src>

<mosaic_0001>
#map = affine_map<(d0, d1) -> (0, 0)>
#map1 = affine_map<(d0, d1) -> (0, 0, 0)>
#map2 = affine_map<(d0, d1) -> (0)>
#map3 = affine_map<(d0, d1) -> (0, 0, 0, 0)>
module attributes {stable_mosaic.version = 14 : i64} {
  func.func @sc_kernel(%arg0: i32, %arg1: i32, %arg2: memref<20000x128xf32, #tpu.memory_space<hbm>>, %arg3: memref<32x79x128xi32, #tpu.memory_space<hbm>>, %arg4: memref<32x79x128xi32, #tpu.memory_space<hbm>>, %arg5: memref<632x128xf32, #tpu.memory_space<hbm>>, %arg6: memref<10240xf32, #tpu.memory_space<hbm>>, %arg7: memref<2x16x632x128xf32, #tpu.memory_space<hbm>>, %arg8: memref<2x16x640xf32, #tpu.memory_space<hbm>>, %arg9: memref<4x128xi32, #tpu.memory_space<vmem>>, %arg10: memref<79x128xi32, #tpu.memory_space<vmem>>, %arg11: memref<2x128x128xf32, #tpu.memory_space<vmem>>, %arg12: memref<128xf32, #tpu.memory_space<vmem>>, %arg13: memref<10112x128xf32, #tpu.memory_space<vmem_shared>>, %arg14: memref<10240xf32, #tpu.memory_space<vmem_shared>>, %arg15: memref<4x!tpu.dma_semaphore, #tpu.memory_space<semaphore_mem>>, %arg16: memref<2x!tpu.dma_semaphore, #tpu.memory_space<semaphore_mem>>, %arg17: memref<2x!tpu.dma_semaphore, #tpu.memory_space<semaphore_mem>>, %arg18: memref<2x!tpu.dma_semaphore, #tpu.memory_space<semaphore_mem>>) attributes {dimension_semantics = [#tpu.dimension_semantics<core_parallel>, #tpu.dimension_semantics<subcore_parallel>], iteration_bounds = array<i64: 2, 16>, scalar_prefetch = 0 : i64, scratch_operands = 10 : i64, tpu.core_type = #tpu.core_type<sc_vector_subcore>, window_params = [{transform_indices = #map}, {transform_indices = #map1}, {transform_indices = #map1}, {transform_indices = #map}, {transform_indices = #map2}, {transform_indices = #map3}, {transform_indices = #map1}]} {
    %mul3A = arith.constant 16 : i32
    %mul3A_0 = arith.muli %arg0, %mul3A : i32
    %add3A = arith.addi %mul3A_0, %arg1 : i32
    %mul3A_1 = arith.constant 632 : i32
    %mul3A_2 = arith.muli %arg1, %mul3A_1 : i32
    "tpu.region"() ({
      %run_scoped3A_118 = tpu.sem_alloc : memref<!tpu.dma_semaphore, #tpu.memory_space<semaphore_mem>>
      %dma_start3A_119 = arith.constant 0 : i32
      %dma_start3A_120 = tpu.memref_slice %arg13[%mul3A_2, %dma_start3A_119] : memref<10112x128xf32, #tpu.memory_space<vmem_shared>> -> memref<632x128xf32, #tpu.memory_space<vmem_shared>>
      tpu.enqueue_dma source(%arg5 : memref<632x128xf32, #tpu.memory_space<hbm>>) target(%dma_start3A_120 : memref<632x128xf32, #tpu.memory_space<vmem_shared>>) target_semaphore(%run_scoped3A_118 : memref<!tpu.dma_semaphore, #tpu.memory_space<semaphore_mem>>)
      %dma_wait3A_121 = arith.constant 0 : i32
      %dma_wait3A_122 = tpu.memref_slice %arg13[%mul3A_2, %dma_wait3A_121] : memref<10112x128xf32, #tpu.memory_space<vmem_shared>> -> memref<632x128xf32, #tpu.memory_space<vmem_shared>>
      tpu.wait_dma2 semaphore(%run_scoped3A_118 : memref<!tpu.dma_semaphore, #tpu.memory_space<semaphore_mem>>) src(%arg5 : memref<632x128xf32, #tpu.memory_space<hbm>>) dst(%dma_wait3A_122 : memref<632x128xf32, #tpu.memory_space<vmem_shared>>)
      tpu.yield
    }) : () -> ()
    %mul3A_3 = arith.constant 640 : i32
    %mul3A_4 = arith.muli %arg1, %mul3A_3 : i32
    %mul3A_5 = arith.constant 640 : i32
    %mul3A_6 = arith.muli %arg1, %mul3A_5 : i32
    "tpu.region"() ({
      %run_scoped3A_118 = tpu.sem_alloc : memref<!tpu.dma_semaphore, #tpu.memory_space<semaphore_mem>>
      %dma_start3A_119 = tpu.memref_slice %arg14[%mul3A_6] : memref<10240xf32, #tpu.memory_space<vmem_shared>> -> memref<640xf32, #tpu.memory_space<vmem_shared>>
      %dma_start3A_120 = tpu.memref_slice %arg6[%mul3A_4] : memref<10240xf32, #tpu.memory_space<hbm>> -> memref<640xf32, #tpu.memory_space<hbm>>
      tpu.enqueue_dma source(%dma_start3A_120 : memref<640xf32, #tpu.memory_space<hbm>>) target(%dma_start3A_119 : memref<640xf32, #tpu.memory_space<vmem_shared>>) target_semaphore(%run_scoped3A_118 : memref<!tpu.dma_semaphore, #tpu.memory_space<semaphore_mem>>)
      %dma_wait3A_121 = tpu.memref_slice %arg14[%mul3A_6] : memref<10240xf32, #tpu.memory_space<vmem_shared>> -> memref<640xf32, #tpu.memory_space<vmem_shared>>
      %dma_wait3A_122 = tpu.memref_slice %arg6[%mul3A_4] : memref<10240xf32, #tpu.memory_space<hbm>> -> memref<640xf32, #tpu.memory_space<hbm>>
      tpu.wait_dma2 semaphore(%run_scoped3A_118 : memref<!tpu.dma_semaphore, #tpu.memory_space<semaphore_mem>>) src(%dma_wait3A_122 : memref<640xf32, #tpu.memory_space<hbm>>) dst(%dma_wait3A_121 : memref<640xf32, #tpu.memory_space<vmem_shared>>)
      tpu.yield
    }) : () -> ()
    %broadcast_in_dim3A = arith.constant 1.000000e+00 : f32
    %broadcast_in_dim3A_7 = vector.broadcast %broadcast_in_dim3A : f32 to vector<16xf32>
    %swap3A = arith.constant 0 : index
    %swap3A_8 = tpu.vector_load %arg12[%swap3A] {strides = array<i32>} : memref<128xf32, #tpu.memory_space<vmem>>, vector<16xf32>,
    %swap3A_9 = vector.shape_cast %swap3A_8 : vector<16xf32> to vector<16xf32>
    %swap3A_10 = vector.shape_cast %broadcast_in_dim3A_7 : vector<16xf32> to vector<16xf32>
    tpu.vector_store %arg12[%swap3A], %swap3A_10 {strides = array<i32>} : memref<128xf32, #tpu.memory_space<vmem>>, vector<16xf32>,
    %broadcast_in_dim3A_11 = arith.constant 1.000000e+00 : f32
    %broadcast_in_dim3A_12 = vector.broadcast %broadcast_in_dim3A_11 : f32 to vector<16xf32>
    %swap3A_13 = arith.constant 16 : index
    %swap3A_14 = tpu.vector_load %arg12[%swap3A_13] {strides = array<i32>} : memref<128xf32, #tpu.memory_space<vmem>>, vector<16xf32>,
    %swap3A_15 = vector.shape_cast %swap3A_14 : vector<16xf32> to vector<16xf32>
    %swap3A_16 = vector.shape_cast %broadcast_in_dim3A_12 : vector<16xf32> to vector<16xf32>
    tpu.vector_store %arg12[%swap3A_13], %swap3A_16 {strides = array<i32>} : memref<128xf32, #tpu.memory_space<vmem>>, vector<16xf32>,
    %broadcast_in_dim3A_17 = arith.constant 1.000000e+00 : f32
    %broadcast_in_dim3A_18 = vector.broadcast %broadcast_in_dim3A_17 : f32 to vector<16xf32>
    %swap3A_19 = arith.constant 32 : index
    %swap3A_20 = tpu.vector_load %arg12[%swap3A_19] {strides = array<i32>} : memref<128xf32, #tpu.memory_space<vmem>>, vector<16xf32>,
    %swap3A_21 = vector.shape_cast %swap3A_20 : vector<16xf32> to vector<16xf32>
    %swap3A_22 = vector.shape_cast %broadcast_in_dim3A_18 : vector<16xf32> to vector<16xf32>
    tpu.vector_store %arg12[%swap3A_19], %swap3A_22 {strides = array<i32>} : memref<128xf32, #tpu.memory_space<vmem>>, vector<16xf32>,
    %broadcast_in_dim3A_23 = arith.constant 1.000000e+00 : f32
    %broadcast_in_dim3A_24 = vector.broadcast %broadcast_in_dim3A_23 : f32 to vector<16xf32>
    %swap3A_25 = arith.constant 48 : index
    %swap3A_26 = tpu.vector_load %arg12[%swap3A_25] {strides = array<i32>} : memref<128xf32, #tpu.memory_space<vmem>>, vector<16xf32>,
    %swap3A_27 = vector.shape_cast %swap3A_26 : vector<16xf32> to vector<16xf32>
    %swap3A_28 = vector.shape_cast %broadcast_in_dim3A_24 : vector<16xf32> to vector<16xf32>
    tpu.vector_store %arg12[%swap3A_25], %swap3A_28 {strides = array<i32>} : memref<128xf32, #tpu.memory_space<vmem>>, vector<16xf32>,
    %broadcast_in_dim3A_29 = arith.constant 1.000000e+00 : f32
    %broadcast_in_dim3A_30 = vector.broadcast %broadcast_in_dim3A_29 : f32 to vector<16xf32>
    %swap3A_31 = arith.constant 64 : index
    %swap3A_32 = tpu.vector_load %arg12[%swap3A_31] {strides = array<i32>} : memref<128xf32, #tpu.memory_space<vmem>>, vector<16xf32>,
    %swap3A_33 = vector.shape_cast %swap3A_32 : vector<16xf32> to vector<16xf32>
    %swap3A_34 = vector.shape_cast %broadcast_in_dim3A_30 : vector<16xf32> to vector<16xf32>
    tpu.vector_store %arg12[%swap3A_31], %swap3A_34 {strides = array<i32>} : memref<128xf32, #tpu.memory_space<vmem>>, vector<16xf32>,
    %broadcast_in_dim3A_35 = arith.constant 1.000000e+00 : f32
    %broadcast_in_dim3A_36 = vector.broadcast %broadcast_in_dim3A_35 : f32 to vector<16xf32>
    %swap3A_37 = arith.constant 80 : index
    %swap3A_38 = tpu.vector_load %arg12[%swap3A_37] {strides = array<i32>} : memref<128xf32, #tpu.memory_space<vmem>>, vector<16xf32>,
    %swap3A_39 = vector.shape_cast %swap3A_38 : vector<16xf32> to vector<16xf32>
    %swap3A_40 = vector.shape_cast %broadcast_in_dim3A_36 : vector<16xf32> to vector<16xf32>
    tpu.vector_store %arg12[%swap3A_37], %swap3A_40 {strides = array<i32>} : memref<128xf32, #tpu.memory_space<vmem>>, vector<16xf32>,
    %broadcast_in_dim3A_41 = arith.constant 1.000000e+00 : f32
    %broadcast_in_dim3A_42 = vector.broadcast %broadcast_in_dim3A_41 : f32 to vector<16xf32>
    %swap3A_43 = arith.constant 96 : index
    %swap3A_44 = tpu.vector_load %arg12[%swap3A_43] {strides = array<i32>} : memref<128xf32, #tpu.memory_space<vmem>>, vector<16xf32>,
    %swap3A_45 = vector.shape_cast %swap3A_44 : vector<16xf32> to vector<16xf32>
    %swap3A_46 = vector.shape_cast %broadcast_in_dim3A_42 : vector<16xf32> to vector<16xf32>
    tpu.vector_store %arg12[%swap3A_43], %swap3A_46 {strides = array<i32>} : memref<128xf32, #tpu.memory_space<vmem>>, vector<16xf32>,
    %broadcast_in_dim3A_47 = arith.constant 1.000000e+00 : f32
    %broadcast_in_dim3A_48 = vector.broadcast %broadcast_in_dim3A_47 : f32 to vector<16xf32>
    %swap3A_49 = arith.constant 112 : index
    %swap3A_50 = tpu.vector_load %arg12[%swap3A_49] {strides = array<i32>} : memref<128xf32, #tpu.memory_space<vmem>>, vector<16xf32>,
    %swap3A_51 = vector.shape_cast %swap3A_50 : vector<16xf32> to vector<16xf32>
    %swap3A_52 = vector.shape_cast %broadcast_in_dim3A_48 : vector<16xf32> to vector<16xf32>
    tpu.vector_store %arg12[%swap3A_49], %swap3A_52 {strides = array<i32>} : memref<128xf32, #tpu.memory_space<vmem>>, vector<16xf32>,
    "tpu.region"() ({
      %run_scoped3A_118 = tpu.sem_alloc : memref<!tpu.dma_semaphore, #tpu.memory_space<semaphore_mem>>
      %dma_start3A_119 = arith.constant 0 : i32
      %dma_start3A_120 = arith.constant 0 : i32
      %dma_start3A_121 = tpu.memref_slice %arg4[%add3A, %dma_start3A_119, %dma_start3A_120] : memref<32x79x128xi32, #tpu.memory_space<hbm>> -> memref<1x79x128xi32, #tpu.memory_space<hbm>>
      %dma_start3A_122 = tpu.memref_squeeze %dma_start3A_121 : memref<1x79x128xi32, #tpu.memory_space<hbm>> -> memref<79x128xi32, #tpu.memory_space<hbm>>
      %dma_start3A_123 = arith.constant 0 : i32
      %dma_start3A_124 = arith.constant 0 : i32
      %dma_start3A_125 = tpu.memref_slice %arg4[%add3A, %dma_start3A_123, %dma_start3A_124] : memref<32x79x128xi32, #tpu.memory_space<hbm>> -> memref<1x79x128xi32, #tpu.memory_space<hbm>>
      %dma_start3A_126 = tpu.memref_squeeze %dma_start3A_125 : memref<1x79x128xi32, #tpu.memory_space<hbm>> -> memref<79x128xi32, #tpu.memory_space<hbm>>
      tpu.enqueue_dma source(%dma_start3A_126 : memref<79x128xi32, #tpu.memory_space<hbm>>) target(%arg10 : memref<79x128xi32, #tpu.memory_space<vmem>>) target_semaphore(%run_scoped3A_118 : memref<!tpu.dma_semaphore, #tpu.memory_space<semaphore_mem>>)
      %dma_wait3A_127 = arith.constant 0 : i32
      %dma_wait3A_128 = arith.constant 0 : i32
      %dma_wait3A_129 = tpu.memref_slice %arg4[%add3A, %dma_wait3A_127, %dma_wait3A_128] : memref<32x79x128xi32, #tpu.memory_space<hbm>> -> memref<1x79x128xi32, #tpu.memory_space<hbm>>
      %dma_wait3A_130 = tpu.memref_squeeze %dma_wait3A_129 : memref<1x79x128xi32, #tpu.memory_space<hbm>> -> memref<79x128xi32, #tpu.memory_space<hbm>>
      %dma_wait3A_131 = arith.constant 0 : i32
      %dma_wait3A_132 = arith.constant 0 : i32
      %dma_wait3A_133 = tpu.memref_slice %arg4[%add3A, %dma_wait3A_131, %dma_wait3A_132] : memref<32x79x128xi32, #tpu.memory_space<hbm>> -> memref<1x79x128xi32, #tpu.memory_space<hbm>>
      %dma_wait3A_134 = tpu.memref_squeeze %dma_wait3A_133 : memref<1x79x128xi32, #tpu.memory_space<hbm>> -> memref<79x128xi32, #tpu.memory_space<hbm>>
      tpu.wait_dma2 semaphore(%run_scoped3A_118 : memref<!tpu.dma_semaphore, #tpu.memory_space<semaphore_mem>>) src(%dma_wait3A_134 : memref<79x128xi32, #tpu.memory_space<hbm>>) dst(%arg10 : memref<79x128xi32, #tpu.memory_space<vmem>>)
      tpu.yield
    }) : () -> ()
    %barrier3A = arith.constant 0 : index
    tpu.barrier barrier_id(%barrier3A)
    %run_scoped3A = arith.constant 0 : i32
    %run_scoped3A_53 = arith.constant 0 : i32
    "tpu.region"() ({
      %run_scoped3A_118 = tpu.sem_alloc : memref<!tpu.dma_semaphore, #tpu.memory_space<semaphore_mem>>
      %dma_start3A_119 = arith.constant 0 : i32
      %dma_start3A_120 = tpu.memref_slice %arg9[%run_scoped3A_53, %dma_start3A_119] : memref<4x128xi32, #tpu.memory_space<vmem>> -> memref<1x128xi32, #tpu.memory_space<vmem>>
      %dma_start3A_121 = tpu.memref_squeeze %dma_start3A_120 : memref<1x128xi32, #tpu.memory_space<vmem>> -> memref<128xi32, #tpu.memory_space<vmem>>
      %dma_start3A_122 = arith.constant 0 : i32
      %dma_start3A_123 = tpu.memref_slice %arg3[%add3A, %run_scoped3A, %dma_start3A_122] : memref<32x79x128xi32, #tpu.memory_space<hbm>> -> memref<1x1x128xi32, #tpu.memory_space<hbm>>
      %dma_start3A_124 = tpu.memref_squeeze %dma_start3A_123 : memref<1x1x128xi32, #tpu.memory_space<hbm>> -> memref<128xi32, #tpu.memory_space<hbm>>
      %dma_start3A_125 = arith.constant 0 : i32
      %dma_start3A_126 = tpu.memref_slice %arg9[%run_scoped3A_53, %dma_start3A_125] : memref<4x128xi32, #tpu.memory_space<vmem>> -> memref<1x128xi32, #tpu.memory_space<vmem>>
      %dma_start3A_127 = tpu.memref_squeeze %dma_start3A_126 : memref<1x128xi32, #tpu.memory_space<vmem>> -> memref<128xi32, #tpu.memory_space<vmem>>
      %dma_start3A_128 = arith.constant 0 : i32
      %dma_start3A_129 = tpu.memref_slice %arg3[%add3A, %run_scoped3A, %dma_start3A_128] : memref<32x79x128xi32, #tpu.memory_space<hbm>> -> memref<1x1x128xi32, #tpu.memory_space<hbm>>
      %dma_start3A_130 = tpu.memref_squeeze %dma_start3A_129 : memref<1x1x128xi32, #tpu.memory_space<hbm>> -> memref<128xi32, #tpu.memory_space<hbm>>
      tpu.enqueue_dma source(%dma_start3A_130 : memref<128xi32, #tpu.memory_space<hbm>>) target(%dma_start3A_127 : memref<128xi32, #tpu.memory_space<vmem>>) target_semaphore(%run_scoped3A_118 : memref<!tpu.dma_semaphore, #tpu.memory_space<semaphore_mem>>)
      %dma_wait3A_131 = arith.constant 0 : i32
      %dma_wait3A_132 = tpu.memref_slice %arg9[%run_scoped3A_53, %dma_wait3A_131] : memref<4x128xi32, #tpu.memory_space<vmem>> -> memref<1x128xi32, #tpu.memory_space<vmem>>
      %dma_wait3A_133 = tpu.memref_squeeze %dma_wait3A_132 : memref<1x128xi32, #tpu.memory_space<vmem>> -> memref<128xi32, #tpu.memory_space<vmem>>
      %dma_wait3A_134 = arith.constant 0 : i32
      %dma_wait3A_135 = tpu.memref_slice %arg3[%add3A, %run_scoped3A, %dma_wait3A_134] : memref<32x79x128xi32, #tpu.memory_space<hbm>> -> memref<1x1x128xi32, #tpu.memory_space<hbm>>
      %dma_wait3A_136 = tpu.memref_squeeze %dma_wait3A_135 : memref<1x1x128xi32, #tpu.memory_space<hbm>> -> memref<128xi32, #tpu.memory_space<hbm>>
      %dma_wait3A_137 = arith.constant 0 : i32
      %dma_wait3A_138 = tpu.memref_slice %arg9[%run_scoped3A_53, %dma_wait3A_137] : memref<4x128xi32, #tpu.memory_space<vmem>> -> memref<1x128xi32, #tpu.memory_space<vmem>>
      %dma_wait3A_139 = tpu.memref_squeeze %dma_wait3A_138 : memref<1x128xi32, #tpu.memory_space<vmem>> -> memref<128xi32, #tpu.memory_space<vmem>>
      %dma_wait3A_140 = arith.constant 0 : i32
      %dma_wait3A_141 = tpu.memref_slice %arg3[%add3A, %run_scoped3A, %dma_wait3A_140] : memref<32x79x128xi32, #tpu.memory_space<hbm>> -> memref<1x1x128xi32, #tpu.memory_space<hbm>>
      %dma_wait3A_142 = tpu.memref_squeeze %dma_wait3A_141 : memref<1x1x128xi32, #tpu.memory_space<hbm>> -> memref<128xi32, #tpu.memory_space<hbm>>
      tpu.wait_dma2 semaphore(%run_scoped3A_118 : memref<!tpu.dma_semaphore, #tpu.memory_space<semaphore_mem>>) src(%dma_wait3A_142 : memref<128xi32, #tpu.memory_space<hbm>>) dst(%dma_wait3A_139 : memref<128xi32, #tpu.memory_space<vmem>>)
      tpu.yield
    }) : () -> ()
    %run_scoped3A_54 = arith.constant 1 : i32
    %run_scoped3A_55 = arith.constant 1 : i32
    "tpu.region"() ({
      %run_scoped3A_118 = tpu.sem_alloc : memref<!tpu.dma_semaphore, #tpu.memory_space<semaphore_mem>>
      %dma_start3A_119 = arith.constant 0 : i32
      %dma_start3A_120 = tpu.memref_slice %arg9[%run_scoped3A_55, %dma_start3A_119] : memref<4x128xi32, #tpu.memory_space<vmem>> -> memref<1x128xi32, #tpu.memory_space<vmem>>
      %dma_start3A_121 = tpu.memref_squeeze %dma_start3A_120 : memref<1x128xi32, #tpu.memory_space<vmem>> -> memref<128xi32, #tpu.memory_space<vmem>>
      %dma_start3A_122 = arith.constant 0 : i32
      %dma_start3A_123 = tpu.memref_slice %arg3[%add3A, %run_scoped3A_54, %dma_start3A_122] : memref<32x79x128xi32, #tpu.memory_space<hbm>> -> memref<1x1x128xi32, #tpu.memory_space<hbm>>
      %dma_start3A_124 = tpu.memref_squeeze %dma_start3A_123 : memref<1x1x128xi32, #tpu.memory_space<hbm>> -> memref<128xi32, #tpu.memory_space<hbm>>
      %dma_start3A_125 = arith.constant 0 : i32
      %dma_start3A_126 = tpu.memref_slice %arg9[%run_scoped3A_55, %dma_start3A_125] : memref<4x128xi32, #tpu.memory_space<vmem>> -> memref<1x128xi32, #tpu.memory_space<vmem>>
      %dma_start3A_127 = tpu.memref_squeeze %dma_start3A_126 : memref<1x128xi32, #tpu.memory_space<vmem>> -> memref<128xi32, #tpu.memory_space<vmem>>
      %dma_start3A_128 = arith.constant 0 : i32
      %dma_start3A_129 = tpu.memref_slice %arg3[%add3A, %run_scoped3A_54, %dma_start3A_128] : memref<32x79x128xi32, #tpu.memory_space<hbm>> -> memref<1x1x128xi32, #tpu.memory_space<hbm>>
      %dma_start3A_130 = tpu.memref_squeeze %dma_start3A_129 : memref<1x1x128xi32, #tpu.memory_space<hbm>> -> memref<128xi32, #tpu.memory_space<hbm>>
      tpu.enqueue_dma source(%dma_start3A_130 : memref<128xi32, #tpu.memory_space<hbm>>) target(%dma_start3A_127 : memref<128xi32, #tpu.memory_space<vmem>>) target_semaphore(%run_scoped3A_118 : memref<!tpu.dma_semaphore, #tpu.memory_space<semaphore_mem>>)
      %dma_wait3A_131 = arith.constant 0 : i32
      %dma_wait3A_132 = tpu.memref_slice %arg9[%run_scoped3A_55, %dma_wait3A_131] : memref<4x128xi32, #tpu.memory_space<vmem>> -> memref<1x128xi32, #tpu.memory_space<vmem>>
      %dma_wait3A_133 = tpu.memref_squeeze %dma_wait3A_132 : memref<1x128xi32, #tpu.memory_space<vmem>> -> memref<128xi32, #tpu.memory_space<vmem>>
      %dma_wait3A_134 = arith.constant 0 : i32
      %dma_wait3A_135 = tpu.memref_slice %arg3[%add3A, %run_scoped3A_54, %dma_wait3A_134] : memref<32x79x128xi32, #tpu.memory_space<hbm>> -> memref<1x1x128xi32, #tpu.memory_space<hbm>>
      %dma_wait3A_136 = tpu.memref_squeeze %dma_wait3A_135 : memref<1x1x128xi32, #tpu.memory_space<hbm>> -> memref<128xi32, #tpu.memory_space<hbm>>
      %dma_wait3A_137 = arith.constant 0 : i32
      %dma_wait3A_138 = tpu.memref_slice %arg9[%run_scoped3A_55, %dma_wait3A_137] : memref<4x128xi32, #tpu.memory_space<vmem>> -> memref<1x128xi32, #tpu.memory_space<vmem>>
      %dma_wait3A_139 = tpu.memref_squeeze %dma_wait3A_138 : memref<1x128xi32, #tpu.memory_space<vmem>> -> memref<128xi32, #tpu.memory_space<vmem>>
      %dma_wait3A_140 = arith.constant 0 : i32
      %dma_wait3A_141 = tpu.memref_slice %arg3[%add3A, %run_scoped3A_54, %dma_wait3A_140] : memref<32x79x128xi32, #tpu.memory_space<hbm>> -> memref<1x1x128xi32, #tpu.memory_space<hbm>>
      %dma_wait3A_142 = tpu.memref_squeeze %dma_wait3A_141 : memref<1x1x128xi32, #tpu.memory_space<hbm>> -> memref<128xi32, #tpu.memory_space<hbm>>
      tpu.wait_dma2 semaphore(%run_scoped3A_118 : memref<!tpu.dma_semaphore, #tpu.memory_space<semaphore_mem>>) src(%dma_wait3A_142 : memref<128xi32, #tpu.memory_space<hbm>>) dst(%dma_wait3A_139 : memref<128xi32, #tpu.memory_space<vmem>>)
      tpu.yield
    }) : () -> ()
    %dma_start3A = arith.constant 0 : i32
    %dma_start3A_56 = arith.constant 0 : i32
    %dma_start3A_57 = arith.constant 0 : i32
    %dma_start3A_58 = arith.constant 0 : i32
    %dma_start3A_59 = arith.constant 0 : i32
    %dma_start3A_60 = tpu.memref_slice %arg11[%dma_start3A_56, %dma_start3A_58, %dma_start3A_59] : memref<2x128x128xf32, #tpu.memory_space<vmem>> -> memref<1x128x128xf32, #tpu.memory_space<vmem>>
    %dma_start3A_61 = tpu.memref_squeeze %dma_start3A_60 : memref<1x128x128xf32, #tpu.memory_space<vmem>> -> memref<128x128xf32, #tpu.memory_space<vmem>>
    %dma_start3A_62 = arith.constant 0 : i32
    %dma_start3A_63 = tpu.memref_slice %arg9[%dma_start3A, %dma_start3A_62] : memref<4x128xi32, #tpu.memory_space<vmem>> -> memref<1x128xi32, #tpu.memory_space<vmem>>
    %dma_start3A_64 = tpu.memref_squeeze %dma_start3A_63 : memref<1x128xi32, #tpu.memory_space<vmem>> -> memref<128xi32, #tpu.memory_space<vmem>>
    %dma_start3A_65 = arith.constant 0 : i32
    %dma_start3A_66 = arith.constant 0 : i32
    %dma_start3A_67 = tpu.memref_slice %arg2[%dma_start3A_65, %dma_start3A_66] : memref<20000x128xf32, #tpu.memory_space<hbm>> -> memref<20000x128xf32, #tpu.memory_space<hbm>>
    %dma_start3A_68 = tpu.memref_slice %arg16[%dma_start3A_57] : memref<2x!tpu.dma_semaphore, #tpu.memory_space<semaphore_mem>> -> memref<1x!tpu.dma_semaphore, #tpu.memory_space<semaphore_mem>>
    %dma_start3A_69 = tpu.memref_squeeze %dma_start3A_68 : memref<1x!tpu.dma_semaphore, #tpu.memory_space<semaphore_mem>> -> memref<!tpu.dma_semaphore, #tpu.memory_space<semaphore_mem>>
    tpu.enqueue_indirect_dma source(%dma_start3A_67 : memref<20000x128xf32, #tpu.memory_space<hbm>>) target(%dma_start3A_61 : memref<128x128xf32, #tpu.memory_space<vmem>>) offsets(%dma_start3A_64 : memref<128xi32, #tpu.memory_space<vmem>>) semaphore(%dma_start3A_69 : memref<!tpu.dma_semaphore, #tpu.memory_space<semaphore_mem>>)
    %dma_start3A_70 = arith.constant 1 : i32
    %dma_start3A_71 = arith.constant 1 : i32
    %dma_start3A_72 = arith.constant 1 : i32
    %dma_start3A_73 = arith.constant 0 : i32
    %dma_start3A_74 = arith.constant 0 : i32
    %dma_start3A_75 = tpu.memref_slice %arg11[%dma_start3A_71, %dma_start3A_73, %dma_start3A_74] : memref<2x128x128xf32, #tpu.memory_space<vmem>> -> memref<1x128x128xf32, #tpu.memory_space<vmem>>
    %dma_start3A_76 = tpu.memref_squeeze %dma_start3A_75 : memref<1x128x128xf32, #tpu.memory_space<vmem>> -> memref<128x128xf32, #tpu.memory_space<vmem>>
    %dma_start3A_77 = arith.constant 0 : i32
    %dma_start3A_78 = tpu.memref_slice %arg9[%dma_start3A_70, %dma_start3A_77] : memref<4x128xi32, #tpu.memory_space<vmem>> -> memref<1x128xi32, #tpu.memory_space<vmem>>
    %dma_start3A_79 = tpu.memref_squeeze %dma_start3A_78 : memref<1x128xi32, #tpu.memory_space<vmem>> -> memref<128xi32, #tpu.memory_space<vmem>>
    %dma_start3A_80 = arith.constant 0 : i32
    %dma_start3A_81 = arith.constant 0 : i32
    %dma_start3A_82 = tpu.memref_slice %arg2[%dma_start3A_80, %dma_start3A_81] : memref<20000x128xf32, #tpu.memory_space<hbm>> -> memref<20000x128xf32, #tpu.memory_space<hbm>>
    %dma_start3A_83 = tpu.memref_slice %arg16[%dma_start3A_72] : memref<2x!tpu.dma_semaphore, #tpu.memory_space<semaphore_mem>> -> memref<1x!tpu.dma_semaphore, #tpu.memory_space<semaphore_mem>>
    %dma_start3A_84 = tpu.memref_squeeze %dma_start3A_83 : memref<1x!tpu.dma_semaphore, #tpu.memory_space<semaphore_mem>> -> memref<!tpu.dma_semaphore, #tpu.memory_space<semaphore_mem>>
    tpu.enqueue_indirect_dma source(%dma_start3A_82 : memref<20000x128xf32, #tpu.memory_space<hbm>>) target(%dma_start3A_76 : memref<128x128xf32, #tpu.memory_space<vmem>>) offsets(%dma_start3A_79 : memref<128xi32, #tpu.memory_space<vmem>>) semaphore(%dma_start3A_84 : memref<!tpu.dma_semaphore, #tpu.memory_space<semaphore_mem>>)
    %scan3A = arith.constant 0 : i32
    %scan3A_85 = arith.constant 0 : i32
    %scan3A_86 = arith.constant 79 : i32
    %scan3A_87 = arith.addi %scan3A_85, %scan3A_86 : i32
    %scan3A_88 = arith.constant 1 : i32
    scf.for %scan3A_118 = %scan3A_85 to %scan3A_87 step %scan3A_88  : i32 {
      %rem3A = arith.constant 2 : i32
      %rem3A_119 = arith.remsi %scan3A_118, %rem3A : i32
      %sub3A = arith.constant 1 : i32
      %sub3A_120 = arith.subi %sub3A, %rem3A_119 : i32
      %rem3A_121 = arith.constant 4 : i32
      %rem3A_122 = arith.remsi %scan3A_118, %rem3A_121 : i32
      %add3A_123 = arith.constant 1 : i32
      %add3A_124 = arith.addi %scan3A_118, %add3A_123 : i32
      %rem3A_125 = arith.constant 4 : i32
      %rem3A_126 = arith.remsi %add3A_124, %rem3A_125 : i32
      %add3A_127 = arith.constant 2 : i32
      %add3A_128 = arith.addi %scan3A_118, %add3A_127 : i32
      %rem3A_129 = arith.constant 4 : i32
      %rem3A_130 = arith.remsi %add3A_128, %rem3A_129 : i32
      %dma_wait3A_131 = arith.constant 0 : i32
      %dma_wait3A_132 = arith.constant 0 : i32
      %dma_wait3A_133 = tpu.memref_slice %arg11[%rem3A_119, %dma_wait3A_131, %dma_wait3A_132] : memref<2x128x128xf32, #tpu.memory_space<vmem>> -> memref<1x128x128xf32, #tpu.memory_space<vmem>>
      %dma_wait3A_134 = tpu.memref_squeeze %dma_wait3A_133 : memref<1x128x128xf32, #tpu.memory_space<vmem>> -> memref<128x128xf32, #tpu.memory_space<vmem>>
      %dma_wait3A_135 = arith.constant 0 : i32
      %dma_wait3A_136 = tpu.memref_slice %arg9[%rem3A_122, %dma_wait3A_135] : memref<4x128xi32, #tpu.memory_space<vmem>> -> memref<1x128xi32, #tpu.memory_space<vmem>>
      %dma_wait3A_137 = tpu.memref_squeeze %dma_wait3A_136 : memref<1x128xi32, #tpu.memory_space<vmem>> -> memref<128xi32, #tpu.memory_space<vmem>>
      %dma_wait3A_138 = arith.constant 0 : i32
      %dma_wait3A_139 = arith.constant 0 : i32
      %dma_wait3A_140 = tpu.memref_slice %arg2[%dma_wait3A_138, %dma_wait3A_139] : memref<20000x128xf32, #tpu.memory_space<hbm>> -> memref<20000x128xf32, #tpu.memory_space<hbm>>
      %dma_wait3A_141 = tpu.memref_slice %arg16[%rem3A_119] : memref<2x!tpu.dma_semaphore, #tpu.memory_space<semaphore_mem>> -> memref<1x!tpu.dma_semaphore, #tpu.memory_space<semaphore_mem>>
      %dma_wait3A_142 = tpu.memref_squeeze %dma_wait3A_141 : memref<1x!tpu.dma_semaphore, #tpu.memory_space<semaphore_mem>> -> memref<!tpu.dma_semaphore, #tpu.memory_space<semaphore_mem>>
      tpu.wait_indirect_dma semaphore(%dma_wait3A_142 : memref<!tpu.dma_semaphore, #tpu.memory_space<semaphore_mem>>) src(%dma_wait3A_140 : memref<20000x128xf32, #tpu.memory_space<hbm>>) dst(%dma_wait3A_134 : memref<128x128xf32, #tpu.memory_space<vmem>>)
      %dma_start3A_143 = arith.constant 0 : i32
      %dma_start3A_144 = arith.constant 0 : i32
      %dma_start3A_145 = tpu.memref_slice %arg11[%rem3A_119, %dma_start3A_143, %dma_start3A_144] : memref<2x128x128xf32, #tpu.memory_space<vmem>> -> memref<1x128x128xf32, #tpu.memory_space<vmem>>
      %dma_start3A_146 = tpu.memref_squeeze %dma_start3A_145 : memref<1x128x128xf32, #tpu.memory_space<vmem>> -> memref<128x128xf32, #tpu.memory_space<vmem>>
      %dma_start3A_147 = arith.constant 0 : i32
      %dma_start3A_148 = tpu.memref_slice %arg10[%scan3A_118, %dma_start3A_147] : memref<79x128xi32, #tpu.memory_space<vmem>> -> memref<1x128xi32, #tpu.memory_space<vmem>>
      %dma_start3A_149 = tpu.memref_squeeze %dma_start3A_148 : memref<1x128xi32, #tpu.memory_space<vmem>> -> memref<128xi32, #tpu.memory_space<vmem>>
      %dma_start3A_150 = arith.constant 0 : i32
      %dma_start3A_151 = arith.constant 0 : i32
      %dma_start3A_152 = tpu.memref_slice %arg13[%dma_start3A_150, %dma_start3A_151] : memref<10112x128xf32, #tpu.memory_space<vmem_shared>> -> memref<10112x128xf32, #tpu.memory_space<vmem_shared>>
      %dma_start3A_153 = tpu.memref_slice %arg17[%rem3A_119] : memref<2x!tpu.dma_semaphore, #tpu.memory_space<semaphore_mem>> -> memref<1x!tpu.dma_semaphore, #tpu.memory_space<semaphore_mem>>
      %dma_start3A_154 = tpu.memref_squeeze %dma_start3A_153 : memref<1x!tpu.dma_semaphore, #tpu.memory_space<semaphore_mem>> -> memref<!tpu.dma_semaphore, #tpu.memory_space<semaphore_mem>>
      tpu.enqueue_indirect_dma source(%dma_start3A_146 : memref<128x128xf32, #tpu.memory_space<vmem>>) target(%dma_start3A_152 : memref<10112x128xf32, #tpu.memory_space<vmem_shared>>) offsets(%dma_start3A_149 : memref<128xi32, #tpu.memory_space<vmem>>) semaphore(%dma_start3A_154 : memref<!tpu.dma_semaphore, #tpu.memory_space<semaphore_mem>>) {add = true}
      %dma_start3A_155 = arith.constant 0 : i32
      %dma_start3A_156 = tpu.memref_slice %arg10[%scan3A_118, %dma_start3A_155] : memref<79x128xi32, #tpu.memory_space<vmem>> -> memref<1x128xi32, #tpu.memory_space<vmem>>
      %dma_start3A_157 = tpu.memref_squeeze %dma_start3A_156 : memref<1x128xi32, #tpu.memory_space<vmem>> -> memref<128xi32, #tpu.memory_space<vmem>>
      %dma_start3A_158 = arith.constant 0 : i32
      %dma_start3A_159 = tpu.memref_slice %arg14[%dma_start3A_158] : memref<10240xf32, #tpu.memory_space<vmem_shared>> -> memref<10240xf32, #tpu.memory_space<vmem_shared>>
      %dma_start3A_160 = tpu.memref_slice %arg18[%rem3A_119] : memref<2x!tpu.dma_semaphore, #tpu.memory_space<semaphore_mem>> -> memref<1x!tpu.dma_semaphore, #tpu.memory_space<semaphore_mem>>
      %dma_start3A_161 = tpu.memref_squeeze %dma_start3A_160 : memref<1x!tpu.dma_semaphore, #tpu.memory_space<semaphore_mem>> -> memref<!tpu.dma_semaphore, #tpu.memory_space<semaphore_mem>>
      tpu.enqueue_indirect_dma source(%arg12 : memref<128xf32, #tpu.memory_space<vmem>>) target(%dma_start3A_159 : memref<10240xf32, #tpu.memory_space<vmem_shared>>) offsets(%dma_start3A_157 : memref<128xi32, #tpu.memory_space<vmem>>) semaphore(%dma_start3A_161 : memref<!tpu.dma_semaphore, #tpu.memory_space<semaphore_mem>>) {add = true}
      %ge3A = arith.constant 1 : i32
      %ge3A_162 = arith.cmpi sge, %scan3A_118, %ge3A : i32
      %convert_element_type3A = arith.extui %ge3A_162 : i1 to i32
      %cond3A = arith.constant 0 : i32
      %cond3A_163 = arith.cmpi ne, %convert_element_type3A, %cond3A : i32
      scf.if %cond3A_163 {
        %sub3A_179 = arith.constant 1 : i32
        %sub3A_180 = arith.subi %scan3A_118, %sub3A_179 : i32
        %dma_wait3A_181 = arith.constant 0 : i32
        %dma_wait3A_182 = arith.constant 0 : i32
        %dma_wait3A_183 = tpu.memref_slice %arg11[%sub3A_120, %dma_wait3A_181, %dma_wait3A_182] : memref<2x128x128xf32, #tpu.memory_space<vmem>> -> memref<1x128x128xf32, #tpu.memory_space<vmem>>
        %dma_wait3A_184 = tpu.memref_squeeze %dma_wait3A_183 : memref<1x128x128xf32, #tpu.memory_space<vmem>> -> memref<128x128xf32, #tpu.memory_space<vmem>>
        %dma_wait3A_185 = arith.constant 0 : i32
        %dma_wait3A_186 = tpu.memref_slice %arg10[%sub3A_180, %dma_wait3A_185] : memref<79x128xi32, #tpu.memory_space<vmem>> -> memref<1x128xi32, #tpu.memory_space<vmem>>
        %dma_wait3A_187 = tpu.memref_squeeze %dma_wait3A_186 : memref<1x128xi32, #tpu.memory_space<vmem>> -> memref<128xi32, #tpu.memory_space<vmem>>
        %dma_wait3A_188 = arith.constant 0 : i32
        %dma_wait3A_189 = arith.constant 0 : i32
        %dma_wait3A_190 = tpu.memref_slice %arg13[%dma_wait3A_188, %dma_wait3A_189] : memref<10112x128xf32, #tpu.memory_space<vmem_shared>> -> memref<10112x128xf32, #tpu.memory_space<vmem_shared>>
        %dma_wait3A_191 = tpu.memref_slice %arg17[%sub3A_120] : memref<2x!tpu.dma_semaphore, #tpu.memory_space<semaphore_mem>> -> memref<1x!tpu.dma_semaphore, #tpu.memory_space<semaphore_mem>>
        %dma_wait3A_192 = tpu.memref_squeeze %dma_wait3A_191 : memref<1x!tpu.dma_semaphore, #tpu.memory_space<semaphore_mem>> -> memref<!tpu.dma_semaphore, #tpu.memory_space<semaphore_mem>>
        tpu.wait_indirect_dma semaphore(%dma_wait3A_192 : memref<!tpu.dma_semaphore, #tpu.memory_space<semaphore_mem>>) src(%dma_wait3A_184 : memref<128x128xf32, #tpu.memory_space<vmem>>) dst(%dma_wait3A_190 : memref<10112x128xf32, #tpu.memory_space<vmem_shared>>)
        %sub3A_193 = arith.constant 1 : i32
        %sub3A_194 = arith.subi %scan3A_118, %sub3A_193 : i32
        %dma_wait3A_195 = arith.constant 0 : i32
        %dma_wait3A_196 = tpu.memref_slice %arg10[%sub3A_194, %dma_wait3A_195] : memref<79x128xi32, #tpu.memory_space<vmem>> -> memref<1x128xi32, #tpu.memory_space<vmem>>
        %dma_wait3A_197 = tpu.memref_squeeze %dma_wait3A_196 : memref<1x128xi32, #tpu.memory_space<vmem>> -> memref<128xi32, #tpu.memory_space<vmem>>
        %dma_wait3A_198 = arith.constant 0 : i32
        %dma_wait3A_199 = tpu.memref_slice %arg14[%dma_wait3A_198] : memref<10240xf32, #tpu.memory_space<vmem_shared>> -> memref<10240xf32, #tpu.memory_space<vmem_shared>>
        %dma_wait3A_200 = tpu.memref_slice %arg18[%sub3A_120] : memref<2x!tpu.dma_semaphore, #tpu.memory_space<semaphore_mem>> -> memref<1x!tpu.dma_semaphore, #tpu.memory_space<semaphore_mem>>
        %dma_wait3A_201 = tpu.memref_squeeze %dma_wait3A_200 : memref<1x!tpu.dma_semaphore, #tpu.memory_space<semaphore_mem>> -> memref<!tpu.dma_semaphore, #tpu.memory_space<semaphore_mem>>
        tpu.wait_indirect_dma semaphore(%dma_wait3A_201 : memref<!tpu.dma_semaphore, #tpu.memory_space<semaphore_mem>>) src(%arg12 : memref<128xf32, #tpu.memory_space<vmem>>) dst(%dma_wait3A_199 : memref<10240xf32, #tpu.memory_space<vmem_shared>>)
      } else {
      }
      %ge3A_164 = arith.constant 1 : i32
      %ge3A_165 = arith.cmpi sge, %scan3A_118, %ge3A_164 : i32
      %add3A_166 = arith.constant 1 : i32
      %add3A_167 = arith.addi %scan3A_118, %add3A_166 : i32
      %lt3A = arith.constant 79 : i32
      %lt3A_168 = arith.cmpi slt, %add3A_167, %lt3A : i32
      %and3A = arith.andi %ge3A_165, %lt3A_168 : i1
      %convert_element_type3A_169 = arith.extui %and3A : i1 to i32
      %cond3A_170 = arith.constant 0 : i32
      %cond3A_171 = arith.cmpi ne, %convert_element_type3A_169, %cond3A_170 : i32
      scf.if %cond3A_171 {
        %add3A_179 = arith.constant 1 : i32
        %add3A_180 = arith.addi %scan3A_118, %add3A_179 : i32
        %dma_wait3A_181 = arith.constant 0 : i32
        %dma_wait3A_182 = tpu.memref_slice %arg9[%rem3A_126, %dma_wait3A_181] : memref<4x128xi32, #tpu.memory_space<vmem>> -> memref<1x128xi32, #tpu.memory_space<vmem>>
        %dma_wait3A_183 = tpu.memref_squeeze %dma_wait3A_182 : memref<1x128xi32, #tpu.memory_space<vmem>> -> memref<128xi32, #tpu.memory_space<vmem>>
        %dma_wait3A_184 = arith.constant 0 : i32
        %dma_wait3A_185 = tpu.memref_slice %arg3[%add3A, %add3A_180, %dma_wait3A_184] : memref<32x79x128xi32, #tpu.memory_space<hbm>> -> memref<1x1x128xi32, #tpu.memory_space<hbm>>
        %dma_wait3A_186 = tpu.memref_squeeze %dma_wait3A_185 : memref<1x1x128xi32, #tpu.memory_space<hbm>> -> memref<128xi32, #tpu.memory_space<hbm>>
        %dma_wait3A_187 = tpu.memref_slice %arg15[%rem3A_126] : memref<4x!tpu.dma_semaphore, #tpu.memory_space<semaphore_mem>> -> memref<1x!tpu.dma_semaphore, #tpu.memory_space<semaphore_mem>>
        %dma_wait3A_188 = tpu.memref_squeeze %dma_wait3A_187 : memref<1x!tpu.dma_semaphore, #tpu.memory_space<semaphore_mem>> -> memref<!tpu.dma_semaphore, #tpu.memory_space<semaphore_mem>>
        %dma_wait3A_189 = arith.constant 0 : i32
        %dma_wait3A_190 = tpu.memref_slice %arg9[%rem3A_126, %dma_wait3A_189] : memref<4x128xi32, #tpu.memory_space<vmem>> -> memref<1x128xi32, #tpu.memory_space<vmem>>
        %dma_wait3A_191 = tpu.memref_squeeze %dma_wait3A_190 : memref<1x128xi32, #tpu.memory_space<vmem>> -> memref<128xi32, #tpu.memory_space<vmem>>
        %dma_wait3A_192 = arith.constant 0 : i32
        %dma_wait3A_193 = tpu.memref_slice %arg3[%add3A, %add3A_180, %dma_wait3A_192] : memref<32x79x128xi32, #tpu.memory_space<hbm>> -> memref<1x1x128xi32, #tpu.memory_space<hbm>>
        %dma_wait3A_194 = tpu.memref_squeeze %dma_wait3A_193 : memref<1x1x128xi32, #tpu.memory_space<hbm>> -> memref<128xi32, #tpu.memory_space<hbm>>
        tpu.wait_dma2 semaphore(%dma_wait3A_188 : memref<!tpu.dma_semaphore, #tpu.memory_space<semaphore_mem>>) src(%dma_wait3A_194 : memref<128xi32, #tpu.memory_space<hbm>>) dst(%dma_wait3A_191 : memref<128xi32, #tpu.memory_space<vmem>>)
        %dma_start3A_195 = arith.constant 0 : i32
        %dma_start3A_196 = arith.constant 0 : i32
        %dma_start3A_197 = tpu.memref_slice %arg11[%sub3A_120, %dma_start3A_195, %dma_start3A_196] : memref<2x128x128xf32, #tpu.memory_space<vmem>> -> memref<1x128x128xf32, #tpu.memory_space<vmem>>
        %dma_start3A_198 = tpu.memref_squeeze %dma_start3A_197 : memref<1x128x128xf32, #tpu.memory_space<vmem>> -> memref<128x128xf32, #tpu.memory_space<vmem>>
        %dma_start3A_199 = arith.constant 0 : i32
        %dma_start3A_200 = tpu.memref_slice %arg9[%rem3A_126, %dma_start3A_199] : memref<4x128xi32, #tpu.memory_space<vmem>> -> memref<1x128xi32, #tpu.memory_space<vmem>>
        %dma_start3A_201 = tpu.memref_squeeze %dma_start3A_200 : memref<1x128xi32, #tpu.memory_space<vmem>> -> memref<128xi32, #tpu.memory_space<vmem>>
        %dma_start3A_202 = arith.constant 0 : i32
        %dma_start3A_203 = arith.constant 0 : i32
        %dma_start3A_204 = tpu.memref_slice %arg2[%dma_start3A_202, %dma_start3A_203] : memref<20000x128xf32, #tpu.memory_space<hbm>> -> memref<20000x128xf32, #tpu.memory_space<hbm>>
        %dma_start3A_205 = tpu.memref_slice %arg16[%sub3A_120] : memref<2x!tpu.dma_semaphore, #tpu.memory_space<semaphore_mem>> -> memref<1x!tpu.dma_semaphore, #tpu.memory_space<semaphore_mem>>
        %dma_start3A_206 = tpu.memref_squeeze %dma_start3A_205 : memref<1x!tpu.dma_semaphore, #tpu.memory_space<semaphore_mem>> -> memref<!tpu.dma_semaphore, #tpu.memory_space<semaphore_mem>>
        tpu.enqueue_indirect_dma source(%dma_start3A_204 : memref<20000x128xf32, #tpu.memory_space<hbm>>) target(%dma_start3A_198 : memref<128x128xf32, #tpu.memory_space<vmem>>) offsets(%dma_start3A_201 : memref<128xi32, #tpu.memory_space<vmem>>) semaphore(%dma_start3A_206 : memref<!tpu.dma_semaphore, #tpu.memory_space<semaphore_mem>>)
      } else {
      }
      %add3A_172 = arith.constant 2 : i32
      %add3A_173 = arith.addi %scan3A_118, %add3A_172 : i32
      %lt3A_174 = arith.constant 79 : i32
      %lt3A_175 = arith.cmpi slt, %add3A_173, %lt3A_174 : i32
      %convert_element_type3A_176 = arith.extui %lt3A_175 : i1 to i32
      %cond3A_177 = arith.constant 0 : i32
      %cond3A_178 = arith.cmpi ne, %convert_element_type3A_176, %cond3A_177 : i32
      scf.if %cond3A_178 {
        %add3A_179 = arith.constant 2 : i32
        %add3A_180 = arith.addi %scan3A_118, %add3A_179 : i32
        %dma_start3A_181 = arith.constant 0 : i32
        %dma_start3A_182 = tpu.memref_slice %arg9[%rem3A_130, %dma_start3A_181] : memref<4x128xi32, #tpu.memory_space<vmem>> -> memref<1x128xi32, #tpu.memory_space<vmem>>
        %dma_start3A_183 = tpu.memref_squeeze %dma_start3A_182 : memref<1x128xi32, #tpu.memory_space<vmem>> -> memref<128xi32, #tpu.memory_space<vmem>>
        %dma_start3A_184 = arith.constant 0 : i32
        %dma_start3A_185 = tpu.memref_slice %arg3[%add3A, %add3A_180, %dma_start3A_184] : memref<32x79x128xi32, #tpu.memory_space<hbm>> -> memref<1x1x128xi32, #tpu.memory_space<hbm>>
        %dma_start3A_186 = tpu.memref_squeeze %dma_start3A_185 : memref<1x1x128xi32, #tpu.memory_space<hbm>> -> memref<128xi32, #tpu.memory_space<hbm>>
        %dma_start3A_187 = tpu.memref_slice %arg15[%rem3A_130] : memref<4x!tpu.dma_semaphore, #tpu.memory_space<semaphore_mem>> -> memref<1x!tpu.dma_semaphore, #tpu.memory_space<semaphore_mem>>
        %dma_start3A_188 = tpu.memref_squeeze %dma_start3A_187 : memref<1x!tpu.dma_semaphore, #tpu.memory_space<semaphore_mem>> -> memref<!tpu.dma_semaphore, #tpu.memory_space<semaphore_mem>>
        %dma_start3A_189 = arith.constant 0 : i32
        %dma_start3A_190 = tpu.memref_slice %arg9[%rem3A_130, %dma_start3A_189] : memref<4x128xi32, #tpu.memory_space<vmem>> -> memref<1x128xi32, #tpu.memory_space<vmem>>
        %dma_start3A_191 = tpu.memref_squeeze %dma_start3A_190 : memref<1x128xi32, #tpu.memory_space<vmem>> -> memref<128xi32, #tpu.memory_space<vmem>>
        %dma_start3A_192 = arith.constant 0 : i32
        %dma_start3A_193 = tpu.memref_slice %arg3[%add3A, %add3A_180, %dma_start3A_192] : memref<32x79x128xi32, #tpu.memory_space<hbm>> -> memref<1x1x128xi32, #tpu.memory_space<hbm>>
        %dma_start3A_194 = tpu.memref_squeeze %dma_start3A_193 : memref<1x1x128xi32, #tpu.memory_space<hbm>> -> memref<128xi32, #tpu.memory_space<hbm>>
        tpu.enqueue_dma source(%dma_start3A_194 : memref<128xi32, #tpu.memory_space<hbm>>) target(%dma_start3A_191 : memref<128xi32, #tpu.memory_space<vmem>>) target_semaphore(%dma_start3A_188 : memref<!tpu.dma_semaphore, #tpu.memory_space<semaphore_mem>>)
      } else {
      }
    }
    %scan3A_89 = arith.constant 79 : i32
    %dma_wait3A = arith.constant 0 : i32
    %dma_wait3A_90 = arith.constant 78 : i32
    %dma_wait3A_91 = arith.constant 0 : i32
    %dma_wait3A_92 = arith.constant 0 : i32
    %dma_wait3A_93 = arith.constant 0 : i32
    %dma_wait3A_94 = tpu.memref_slice %arg11[%dma_wait3A, %dma_wait3A_92, %dma_wait3A_93] : memref<2x128x128xf32, #tpu.memory_space<vmem>> -> memref<1x128x128xf32, #tpu.memory_space<vmem>>
    %dma_wait3A_95 = tpu.memref_squeeze %dma_wait3A_94 : memref<1x128x128xf32, #tpu.memory_space<vmem>> -> memref<128x128xf32, #tpu.memory_space<vmem>>
    %dma_wait3A_96 = arith.constant 0 : i32
    %dma_wait3A_97 = tpu.memref_slice %arg10[%dma_wait3A_90, %dma_wait3A_96] : memref<79x128xi32, #tpu.memory_space<vmem>> -> memref<1x128xi32, #tpu.memory_space<vmem>>
    %dma_wait3A_98 = tpu.memref_squeeze %dma_wait3A_97 : memref<1x128xi32, #tpu.memory_space<vmem>> -> memref<128xi32, #tpu.memory_space<vmem>>
    %dma_wait3A_99 = arith.constant 0 : i32
    %dma_wait3A_100 = arith.constant 0 : i32
    %dma_wait3A_101 = tpu.memref_slice %arg13[%dma_wait3A_99, %dma_wait3A_100] : memref<10112x128xf32, #tpu.memory_space<vmem_shared>> -> memref<10112x128xf32, #tpu.memory_space<vmem_shared>>
    %dma_wait3A_102 = tpu.memref_slice %arg17[%dma_wait3A_91] : memref<2x!tpu.dma_semaphore, #tpu.memory_space<semaphore_mem>> -> memref<1x!tpu.dma_semaphore, #tpu.memory_space<semaphore_mem>>
    %dma_wait3A_103 = tpu.memref_squeeze %dma_wait3A_102 : memref<1x!tpu.dma_semaphore, #tpu.memory_space<semaphore_mem>> -> memref<!tpu.dma_semaphore, #tpu.memory_space<semaphore_mem>>
    tpu.wait_indirect_dma semaphore(%dma_wait3A_103 : memref<!tpu.dma_semaphore, #tpu.memory_space<semaphore_mem>>) src(%dma_wait3A_95 : memref<128x128xf32, #tpu.memory_space<vmem>>) dst(%dma_wait3A_101 : memref<10112x128xf32, #tpu.memory_space<vmem_shared>>)
    %dma_wait3A_104 = arith.constant 78 : i32
    %dma_wait3A_105 = arith.constant 0 : i32
    %dma_wait3A_106 = arith.constant 0 : i32
    %dma_wait3A_107 = tpu.memref_slice %arg10[%dma_wait3A_104, %dma_wait3A_106] : memref<79x128xi32, #tpu.memory_space<vmem>> -> memref<1x128xi32, #tpu.memory_space<vmem>>
    %dma_wait3A_108 = tpu.memref_squeeze %dma_wait3A_107 : memref<1x128xi32, #tpu.memory_space<vmem>> -> memref<128xi32, #tpu.memory_space<vmem>>
    %dma_wait3A_109 = arith.constant 0 : i32
    %dma_wait3A_110 = tpu.memref_slice %arg14[%dma_wait3A_109] : memref<10240xf32, #tpu.memory_space<vmem_shared>> -> memref<10240xf32, #tpu.memory_space<vmem_shared>>
    %dma_wait3A_111 = tpu.memref_slice %arg18[%dma_wait3A_105] : memref<2x!tpu.dma_semaphore, #tpu.memory_space<semaphore_mem>> -> memref<1x!tpu.dma_semaphore, #tpu.memory_space<semaphore_mem>>
    %dma_wait3A_112 = tpu.memref_squeeze %dma_wait3A_111 : memref<1x!tpu.dma_semaphore, #tpu.memory_space<semaphore_mem>> -> memref<!tpu.dma_semaphore, #tpu.memory_space<semaphore_mem>>
    tpu.wait_indirect_dma semaphore(%dma_wait3A_112 : memref<!tpu.dma_semaphore, #tpu.memory_space<semaphore_mem>>) src(%arg12 : memref<128xf32, #tpu.memory_space<vmem>>) dst(%dma_wait3A_110 : memref<10240xf32, #tpu.memory_space<vmem_shared>>)
    %barrier3A_113 = arith.constant 0 : index
    tpu.barrier barrier_id(%barrier3A_113)
    %mul3A_114 = arith.constant 632 : i32
    %mul3A_115 = arith.muli %arg1, %mul3A_114 : i32
    "tpu.region"() ({
      %run_scoped3A_118 = tpu.sem_alloc : memref<!tpu.dma_semaphore, #tpu.memory_space<semaphore_mem>>
      %dma_start3A_119 = arith.constant 0 : i32
      %dma_start3A_120 = arith.constant 0 : i32
      %dma_start3A_121 = tpu.memref_slice %arg7[%arg0, %arg1, %dma_start3A_119, %dma_start3A_120] : memref<2x16x632x128xf32, #tpu.memory_space<hbm>> -> memref<1x1x632x128xf32, #tpu.memory_space<hbm>>
      %dma_start3A_122 = tpu.memref_squeeze %dma_start3A_121 : memref<1x1x632x128xf32, #tpu.memory_space<hbm>> -> memref<632x128xf32, #tpu.memory_space<hbm>>
      %dma_start3A_123 = arith.constant 0 : i32
      %dma_start3A_124 = tpu.memref_slice %arg13[%mul3A_115, %dma_start3A_123] : memref<10112x128xf32, #tpu.memory_space<vmem_shared>> -> memref<632x128xf32, #tpu.memory_space<vmem_shared>>
      tpu.enqueue_dma source(%dma_start3A_124 : memref<632x128xf32, #tpu.memory_space<vmem_shared>>) target(%dma_start3A_122 : memref<632x128xf32, #tpu.memory_space<hbm>>) target_semaphore(%run_scoped3A_118 : memref<!tpu.dma_semaphore, #tpu.memory_space<semaphore_mem>>)
      %dma_wait3A_125 = arith.constant 0 : i32
      %dma_wait3A_126 = arith.constant 0 : i32
      %dma_wait3A_127 = tpu.memref_slice %arg7[%arg0, %arg1, %dma_wait3A_125, %dma_wait3A_126] : memref<2x16x632x128xf32, #tpu.memory_space<hbm>> -> memref<1x1x632x128xf32, #tpu.memory_space<hbm>>
      %dma_wait3A_128 = tpu.memref_squeeze %dma_wait3A_127 : memref<1x1x632x128xf32, #tpu.memory_space<hbm>> -> memref<632x128xf32, #tpu.memory_space<hbm>>
      %dma_wait3A_129 = arith.constant 0 : i32
      %dma_wait3A_130 = tpu.memref_slice %arg13[%mul3A_115, %dma_wait3A_129] : memref<10112x128xf32, #tpu.memory_space<vmem_shared>> -> memref<632x128xf32, #tpu.memory_space<vmem_shared>>
      tpu.wait_dma2 semaphore(%run_scoped3A_118 : memref<!tpu.dma_semaphore, #tpu.memory_space<semaphore_mem>>) src(%dma_wait3A_130 : memref<632x128xf32, #tpu.memory_space<vmem_shared>>) dst(%dma_wait3A_128 : memref<632x128xf32, #tpu.memory_space<hbm>>)
      tpu.yield
    }) : () -> ()
    %mul3A_116 = arith.constant 640 : i32
    %mul3A_117 = arith.muli %arg1, %mul3A_116 : i32
    "tpu.region"() ({
      %run_scoped3A_118 = tpu.sem_alloc : memref<!tpu.dma_semaphore, #tpu.memory_space<semaphore_mem>>
      %dma_start3A_119 = arith.constant 0 : i32
      %dma_start3A_120 = tpu.memref_slice %arg8[%arg0, %arg1, %dma_start3A_119] : memref<2x16x640xf32, #tpu.memory_space<hbm>> -> memref<1x1x640xf32, #tpu.memory_space<hbm>>
      %dma_start3A_121 = tpu.memref_squeeze %dma_start3A_120 : memref<1x1x640xf32, #tpu.memory_space<hbm>> -> memref<640xf32, #tpu.memory_space<hbm>>
      %dma_start3A_122 = tpu.memref_slice %arg14[%mul3A_117] : memref<10240xf32, #tpu.memory_space<vmem_shared>> -> memref<640xf32, #tpu.memory_space<vmem_shared>>
      tpu.enqueue_dma source(%dma_start3A_122 : memref<640xf32, #tpu.memory_space<vmem_shared>>) target(%dma_start3A_121 : memref<640xf32, #tpu.memory_space<hbm>>) target_semaphore(%run_scoped3A_118 : memref<!tpu.dma_semaphore, #tpu.memory_space<semaphore_mem>>)
      %dma_wait3A_123 = arith.constant 0 : i32
      %dma_wait3A_124 = tpu.memref_slice %arg8[%arg0, %arg1, %dma_wait3A_123] : memref<2x16x640xf32, #tpu.memory_space<hbm>> -> memref<1x1x640xf32, #tpu.memory_space<hbm>>
      %dma_wait3A_125 = tpu.memref_squeeze %dma_wait3A_124 : memref<1x1x640xf32, #tpu.memory_space<hbm>> -> memref<640xf32, #tpu.memory_space<hbm>>
      %dma_wait3A_126 = tpu.memref_slice %arg14[%mul3A_117] : memref<10240xf32, #tpu.memory_space<vmem_shared>> -> memref<640xf32, #tpu.memory_space<vmem_shared>>
      tpu.wait_dma2 semaphore(%run_scoped3A_118 : memref<!tpu.dma_semaphore, #tpu.memory_space<semaphore_mem>>) src(%dma_wait3A_126 : memref<640xf32, #tpu.memory_space<vmem_shared>>) dst(%dma_wait3A_125 : memref<640xf32, #tpu.memory_space<hbm>>)
      tpu.yield
    }) : () -> ()
    return
  }
}

module attributes {stable_mosaic.version = 14 : i64} {
  func.func @body(%arg0: i32, %arg1: i32, %arg2: memref<2000x128xf32, #tpu.memory_space<vmem>>, %arg3: memref<1x128x128xf32, #tpu.memory_space<vmem>>, %arg4: memref<1x1x128xf32, #tpu.memory_space<vmem>>, %arg5: memref<2000x128xf32, #tpu.memory_space<vmem>>) attributes {dimension_semantics = [#tpu.dimension_semantics<arbitrary>, #tpu.dimension_semantics<arbitrary>], iteration_bounds = array<i64: 2, 5>, scalar_prefetch = 0 : i64, scratch_operands = 0 : i64, tpu.core_type = #tpu.core_type<tc>, window_params = [{transform_indices = @transform_0, window_bounds = array<i64: 2000, 128>}, {transform_indices = @transform_1, window_bounds = array<i64: 1, 128, 128>}, {transform_indices = @transform_2, window_bounds = array<i64: 1, 1, 128>}, {transform_indices = @transform_3, window_bounds = array<i64: 2000, 128>}]} {
    %get3A = arith.constant 0 : index
    %get3A_0 = arith.constant 0 : index
    %get3A_1 = vector.load %arg2[%get3A, %get3A_0] : memref<2000x128xf32, #tpu.memory_space<vmem>>, vector<2000x128xf32>
    %get3A_2 = arith.constant 0 : index
    %get3A_3 = arith.constant 0 : index
    %get3A_4 = arith.constant 0 : index
    %get3A_5 = vector.load %arg3[%get3A_2, %get3A_3, %get3A_4] : memref<1x128x128xf32, #tpu.memory_space<vmem>>, vector<1x128x128xf32>
    %get3A_6 = vector.shape_cast %get3A_5 : vector<1x128x128xf32> to vector<128x128xf32>
    %dot_general3A = arith.constant dense<0.000000e+00> : vector<2000x128xf32>
    %dot_general3A_7 = tpu.matmul %get3A_1, %get3A_6, %dot_general3A {dimension_numbers = #tpu.dot_dimension_numbers<[1], [0], [0], [1], [0, 0, 1, 1], [], []>, transpose_lhs_hint = false} : vector<2000x128xf32>, vector<128x128xf32>, vector<2000x128xf32> -> vector<2000x128xf32>
    %get3A_8 = arith.constant 0 : index
    %get3A_9 = arith.constant 0 : index
    %get3A_10 = arith.constant 0 : index
    %get3A_11 = vector.load %arg4[%get3A_8, %get3A_9, %get3A_10] : memref<1x1x128xf32, #tpu.memory_space<vmem>>, vector<1x1x128xf32>
    %get3A_12 = vector.shape_cast %get3A_11 : vector<1x1x128xf32> to vector<1x128xf32>
    %add3A = vector.broadcast %get3A_12 : vector<1x128xf32> to vector<2000x128xf32>
    %add3A_13 = arith.addf %dot_general3A_7, %add3A : vector<2000x128xf32>
    %swap3A = arith.constant 0 : index
    %swap3A_14 = arith.constant 0 : index
    %swap3A_15 = vector.load %arg5[%swap3A, %swap3A_14] : memref<2000x128xf32, #tpu.memory_space<vmem>>, vector<2000x128xf32>
    tpu.vector_store %arg5[%swap3A, %swap3A_14], %add3A_13 {strides = array<i32>} : memref<2000x128xf32, #tpu.memory_space<vmem>>, vector<2000x128xf32>,
    return
  }
  func.func @transform_0(%arg0: i32, %arg1: i32) -> (i32, i32) {
    %c0_i32 = arith.constant 0 : i32
    %c0_i32_0 = arith.constant 0 : i32
    return %arg1, %c0_i32 : i32, i32
  }
  func.func @transform_1(%arg0: i32, %arg1: i32) -> (i32, i32, i32) {
    %c0_i32 = arith.constant 0 : i32
    %c0_i32_0 = arith.constant 0 : i32
    %c0_i32_1 = arith.constant 0 : i32
    return %arg0, %c0_i32, %c0_i32_0 : i32, i32, i32
  }
  func.func @transform_2(%arg0: i32, %arg1: i32) -> (i32, i32, i32) {
    %c0_i32 = arith.constant 0 : i32
    %c0_i32_0 = arith.constant 0 : i32
    %c0_i32_1 = arith.constant 0 : i32
    return %arg0, %c0_i32, %c0_i32_0 : i32, i32, i32
  }
  func.func @transform_3(%arg0: i32, %arg1: i32) -> (i32, i32) {
    %mul3A = arith.constant 5 : i32
    %mul3A_0 = arith.muli %arg0, %mul3A : i32
    %add3A = arith.addi %mul3A_0, %arg1 : i32
    %c0_i32 = arith.constant 0 : i32
    %c0_i32_1 = arith.constant 0 : i32
    return %add3A, %c0_i32 : i32, i32
  }
}

module attributes {stable_mosaic.version = 14 : i64} {
  func.func @body(%arg0: i32, %arg1: memref<2000x128xf32, #tpu.memory_space<vmem>>, %arg2: memref<2000x128xf32, #tpu.memory_space<vmem>>, %arg3: memref<2000x128xf32, #tpu.memory_space<vmem>>, %arg4: memref<2000x1xf32, #tpu.memory_space<vmem>>, %arg5: memref<2000x1xf32, #tpu.memory_space<vmem>>, %arg6: memref<128x128xf32, #tpu.memory_space<vmem>>, %arg7: memref<1x128xf32, #tpu.memory_space<vmem>>, %arg8: memref<2000x128xf32, #tpu.memory_space<vmem>>) attributes {dimension_semantics = [#tpu.dimension_semantics<arbitrary>], iteration_bounds = array<i64: 5>, scalar_prefetch = 0 : i64, scratch_operands = 0 : i64, tpu.core_type = #tpu.core_type<tc>, window_params = [{transform_indices = @transform_0, window_bounds = array<i64: 2000, 128>}, {transform_indices = @transform_1, window_bounds = array<i64: 2000, 128>}, {transform_indices = @transform_2, window_bounds = array<i64: 2000, 128>}, {transform_indices = @transform_3, window_bounds = array<i64: 2000, 1>}, {transform_indices = @transform_4, window_bounds = array<i64: 2000, 1>}, {pipeline_mode = #tpu.pipeline_mode<synchronous>, transform_indices = @transform_5, window_bounds = array<i64: 128, 128>}, {pipeline_mode = #tpu.pipeline_mode<synchronous>, transform_indices = @transform_6, window_bounds = array<i64: 1, 128>}, {transform_indices = @transform_7, window_bounds = array<i64: 2000, 128>}]} {
    %get3A = arith.constant 0 : index
    %get3A_0 = arith.constant 0 : index
    %get3A_1 = vector.load %arg3[%get3A, %get3A_0] : memref<2000x128xf32, #tpu.memory_space<vmem>>, vector<2000x128xf32>
    %get3A_2 = arith.constant 0 : index
    %get3A_3 = arith.constant 0 : index
    %get3A_4 = vector.load %arg6[%get3A_2, %get3A_3] : memref<128x128xf32, #tpu.memory_space<vmem>>, vector<128x128xf32>
    %dot_general3A = arith.constant dense<0.000000e+00> : vector<2000x128xf32>
    %dot_general3A_5 = tpu.matmul %get3A_1, %get3A_4, %dot_general3A {dimension_numbers = #tpu.dot_dimension_numbers<[1], [0], [0], [1], [0, 0, 1, 1], [], []>, transpose_lhs_hint = false} : vector<2000x128xf32>, vector<128x128xf32>, vector<2000x128xf32> -> vector<2000x128xf32>
    %get3A_6 = arith.constant 0 : index
    %get3A_7 = arith.constant 0 : index
    %get3A_8 = vector.load %arg1[%get3A_6, %get3A_7] : memref<2000x128xf32, #tpu.memory_space<vmem>>, vector<2000x128xf32>
    %get3A_9 = arith.constant 0 : index
    %get3A_10 = arith.constant 0 : index
    %get3A_11 = vector.load %arg2[%get3A_9, %get3A_10] : memref<2000x128xf32, #tpu.memory_space<vmem>>, vector<2000x128xf32>
    %add3A = arith.addf %get3A_8, %get3A_11 : vector<2000x128xf32>
    %get3A_12 = arith.constant 0 : index
    %get3A_13 = arith.constant 0 : index
    %get3A_14 = vector.load %arg7[%get3A_12, %get3A_13] : memref<1x128xf32, #tpu.memory_space<vmem>>, vector<1x128xf32>
    %add3A_15 = vector.broadcast %get3A_14 : vector<1x128xf32> to vector<2000x128xf32>
    %add3A_16 = arith.addf %add3A, %add3A_15 : vector<2000x128xf32>
    %add3A_17 = arith.addf %dot_general3A_5, %add3A_16 : vector<2000x128xf32>
    %get3A_18 = arith.constant 0 : index
    %get3A_19 = arith.constant 0 : index
    %get3A_20 = vector.load %arg4[%get3A_18, %get3A_19] : memref<2000x1xf32, #tpu.memory_space<vmem>>, vector<2000x1xf32>
    %get3A_21 = arith.constant 0 : index
    %get3A_22 = arith.constant 0 : index
    %get3A_23 = vector.load %arg5[%get3A_21, %get3A_22] : memref<2000x1xf32, #tpu.memory_space<vmem>>, vector<2000x1xf32>
    %add3A_24 = arith.addf %get3A_20, %get3A_23 : vector<2000x1xf32>
    %eq3A = arith.constant 0.000000e+00 : f32
    %eq3A_25 = vector.broadcast %eq3A : f32 to vector<2000x1xf32>
    %eq3A_26 = arith.cmpf oeq, %add3A_24, %eq3A_25 : vector<2000x1xf32>
    %jit3A = arith.constant 1.000000e+00 : f32
    %broadcast_in_dim3A = vector.broadcast %jit3A : f32 to vector<2000x1xf32>
    %select_n3A = arith.select %eq3A_26, %broadcast_in_dim3A, %add3A_24 : vector<2000x1xi1>, vector<2000x1xf32>
    %max3A = arith.constant 0.000000e+00 : f32
    %max3A_27 = vector.broadcast %max3A : f32 to vector<2000x128xf32>
    %max3A_28 = arith.maximumf %add3A_17, %max3A_27 : vector<2000x128xf32>
    %div3A = vector.broadcast %select_n3A : vector<2000x1xf32> to vector<2000x128xf32>
    %div3A_29 = arith.divf %max3A_28, %div3A : vector<2000x128xf32>
    %swap3A = arith.constant 0 : index
    %swap3A_30 = arith.constant 0 : index
    %swap3A_31 = vector.load %arg8[%swap3A, %swap3A_30] : memref<2000x128xf32, #tpu.memory_space<vmem>>, vector<2000x128xf32>
    tpu.vector_store %arg8[%swap3A, %swap3A_30], %div3A_29 {strides = array<i32>} : memref<2000x128xf32, #tpu.memory_space<vmem>>, vector<2000x128xf32>,
    return
  }
  func.func @transform_0(%arg0: i32) -> (i32, i32) {
    %c0_i32 = arith.constant 0 : i32
    %c0_i32_0 = arith.constant 0 : i32
    return %arg0, %c0_i32 : i32, i32
  }
  func.func @transform_1(%arg0: i32) -> (i32, i32) {
    %c0_i32 = arith.constant 0 : i32
    %c0_i32_0 = arith.constant 0 : i32
    return %arg0, %c0_i32 : i32, i32
  }
  func.func @transform_2(%arg0: i32) -> (i32, i32) {
    %c0_i32 = arith.constant 0 : i32
    %c0_i32_0 = arith.constant 0 : i32
    return %arg0, %c0_i32 : i32, i32
  }
  func.func @transform_3(%arg0: i32) -> (i32, i32) {
    %c0_i32 = arith.constant 0 : i32
    %c0_i32_0 = arith.constant 0 : i32
    return %arg0, %c0_i32 : i32, i32
  }
  func.func @transform_4(%arg0: i32) -> (i32, i32) {
    %c0_i32 = arith.constant 0 : i32
    %c0_i32_0 = arith.constant 0 : i32
    return %arg0, %c0_i32 : i32, i32
  }
  func.func @transform_5(%arg0: i32) -> (i32, i32) {
    %c0_i32 = arith.constant 0 : i32
    %c0_i32_0 = arith.constant 0 : i32
    %c0_i32_1 = arith.constant 0 : i32
    return %c0_i32, %c0_i32_0 : i32, i32
  }
  func.func @transform_6(%arg0: i32) -> (i32, i32) {
    %c0_i32 = arith.constant 0 : i32
    %c0_i32_0 = arith.constant 0 : i32
    %c0_i32_1 = arith.constant 0 : i32
    return %c0_i32, %c0_i32_0 : i32, i32
  }
  func.func @transform_7(%arg0: i32) -> (i32, i32) {
    %c0_i32 = arith.constant 0 : i32
    %c0_i32_0 = arith.constant 0 : i32
    return %arg0, %c0_i32 : i32, i32
  }
}

</mosaic_0001>

<sc_bundles>
// kernel: kernel.5.cloned.1.call-start
scs
__scs_entry_jumppad:
0x0: {  	(pc) =	sbr.rel $0x88, $3  }
0x1: {  	(tag) =	ssettag $0x0;
	lr =	simm.s32 $0x1  }
0x2: {  	[smem:$0x3F98] =	sst lr;
	_ =	strace $0xD0000000  }
0x3: {  	_ = 	snop  }
0x4: {  	_ = 	snop  }
0x5: {  	_ = 	snop  }
0x6: {  	_ = 	snop  }
0x7: {  	_ = 	snop  }
__scs_overlays_trampoline_lowered:
0x8: {  	[smem:$0x3FA7] =	sst s0  }
0x9: {  	[smem:$0x3FA8] =	sst s1  }
0xa: {  	[smem:$0x3FA9] =	sst s2  }
0xb: {  	[smem:$0x3FAA] =	sst s3  }
0xc: {  	[smem:$0x3FAB] =	sst s4  }
0xd: {  	[smem:$0x3FAC] =	sst s5  }
0xe: {  	[smem:$0x3FAD] =	sst s6  }
0xf: {  	[smem:$0x3FAE] =	sst s7  }
0x10: {  	[smem:$0x3FAF] =	sst s8  }
0x11: {  	[smem:$0x3FB0] =	sst s9;
	s0 =	simm.s32 @!p0 $0x0  }
0x12: {  	s1 =	sld [smem:$0x3F96];
	s0 =	simm.s32 @p0 $0x1  }
0x13: {  	[smem:$0x3FB1] =	sst s0;
	s0 =	simm.s32 @!p1 $0x0  }
0x14: {  	s2 =	sld [smem:$0x3F95];
	s0 =	simm.s32 @p1 $0x1  }
0x15: {  	[smem:$0x3FB2] =	sst s0;
	s0 =	simm.s32 @!p2 $0x0  }
0x16: {  	s3 =	sld [smem:$0x3FDB];
	s0 =	simm.s32 @p2 $0x1  }
0x17: {  	s4 =	simm.s32 $0x1BF5;
	[smem:$0x3FB4] =	sst s0  }
0x18: {  	s0 =	sld [smem:$0x3F97];
	_ =	swait.ge [sflag:s4], $0x0  }
0x19: {  	s7 =	sld [smem:$0x3F98]  }
0x1a: {  	s8 =	sadd.s32 $0xFFFFE003, lr  }
0x1b: {  	s9 =	sadd.s32 $0xFFFFFEF7, lr;
	s5 =	simm.s32 $0xFFFFFFFF;
	p2 =	slt.u32 s8, $0xFFFFF086  }
0x1c: {  	p1 =	slt.u32 s9, $0xF7A;
	s5 =	simm.s32 @!p2 $0x0  }
0x1d: {  	s5 =	simm.s32 @p1 $0x1;
	p0 =	seq.s32 s7, s2  }
0x1e: {  	s7 =	smul.u32 @!p0 $0xF7A, s2;
	p2 =	seq.s32 @!p0 s5, $0x0  }
0x1f: {  	s9 =	smul.u32 $0xF7A, s1;
	s8 =	simm.s32 @!p0 $0x1BF5;
	p2 =	por !p2, p0  }
0x20: {  	[sflag:s8] =	ssyncset.s32 @!p0 $0xFFFFF086;
	s6 =	sadd.s32 @!p0 s3, s7;
	s7 =	simm.s32 @!p0 $0x108  }
0x21: {  	s3 =	sadd.s32 s3, s9;
	s6 =	sadd.s32 @!p0 $0x88, s6;
	s7 =	simm.s32 @p2 $0x1082  }
0x22: {  	[simem:s7], [sflag:s8] =	dma.local @!p0 [hbm:s6], $0xF7A  }
0x23: {  	s9 =	sor.u32 $0xD0000000, s2;
	s6 =	simm.s32 $0x108;
	_ =	swait.ge @!p0 [sflag:s8], $0x0  }
0x24: {  	s3 =	sadd.s32 $0x88, s3;
	s6 =	simm.s32 @!p1 $0x1082;
	[sflag:s4] =	ssyncset.s32 $0xFFFFF086  }
0x25: {  	[simem:s6], [sflag:s4] =	dma.local [hbm:s3], $0xF7A  }
0x26: {  	[smem:$0x3F98] =	sst s1;
	(tag) =	ssettag s2;
	_ =	strace s9  }
0x27: {  	s1 =	sld [smem:$0x3FA8]  }
0x28: {  	s2 =	sld [smem:$0x3FA9]  }
0x29: {  	s4 =	sld [smem:$0x3FAB]  }
0x2a: {  	p0 =	seq.s32 s5, $0x0;
	s5 =	sld [smem:$0x3FAC]  }
0x2b: {  	s6 =	sld [smem:$0x3FAD]  }
0x2c: {  	s7 =	sld [smem:$0x3FAE]  }
0x2d: {  	s3 =	simm.s32 $0x108;
	s8 =	sld [smem:$0x3FAF]  }
0x2e: {  	s3 =	simm.s32 @!p0 $0x1082;
	s9 =	sld [smem:$0x3FB0]  }
0x2f: {  	lr =	sadd.s32 s0, s3;
	s0 =	sld [smem:$0x3FA7]  }
0x30: {  	s3 =	sld [smem:$0x3FAA]  }
0x31: {  	[smem:$0x3FB3] =	sst s10  }
0x32: {  	s10 =	sld [smem:$0x3FB1];
	_ =	sdelay $0x3  }
0x33: {  	p0 =	seq.s32 s10, $0x1;
	s10 =	sld [smem:$0x3FB3];
	_ =	sdelay $0x3  }
0x34: {  	[smem:$0x3FB3] =	sst s10  }
0x35: {  	s10 =	sld [smem:$0x3FB2];
	_ =	sdelay $0x3  }
0x36: {  	p1 =	seq.s32 s10, $0x1;
	s10 =	sld [smem:$0x3FB3];
	_ =	sdelay $0x3  }
0x37: {  	[smem:$0x3FB3] =	sst s10  }
0x38: {  	s10 =	sld [smem:$0x3FB4]  }
0x39: {  	_ = 	snop;
	(pc) =	sbr.ind lr, $3  }
0x3a: {  	_ = 	snop  }
0x3b: {  	_ = 	snop  }
0x3c: {  	p2 =	seq.s32 s10, $0x1;
	s10 =	sld [smem:$0x3FB3]  }
0x3d: {  	_ =	shalt  }
0x3e: {  	_ =	shalt  }
0x3f: {  	_ =	shalt  }
0x40: {  	_ =	shalt  }
0x41: {  	_ =	shalt  }
0x42: {  	_ =	shalt  }
0x43: {  	_ =	shalt  }
0x44: {  	_ =	shalt  }
0x45: {  	_ =	shalt  }
0x46: {  	_ =	shalt  }
0x47: {  	_ =	shalt  }
0x48: {  	_ =	shalt  }
0x49: {  	_ =	shalt  }
0x4a: {  	_ =	shalt  }
0x4b: {  	_ =	shalt  }
0x4c: {  	_ =	shalt  }
0x4d: {  	_ =	shalt  }
0x4e: {  	_ =	shalt  }
0x4f: {  	_ =	shalt  }
0x50: {  	_ =	shalt  }
0x51: {  	_ =	shalt  }
0x52: {  	_ =	shalt  }
0x53: {  	_ =	shalt  }
0x54: {  	_ =	shalt  }
0x55: {  	_ =	shalt  }
0x56: {  	_ =	shalt  }
0x57: {  	_ =	shalt  }
0x58: {  	_ =	shalt  }
0x59: {  	_ =	shalt  }
0x5a: {  	_ =	shalt  }
0x5b: {  	_ =	shalt  }
0x5c: {  	_ =	shalt  }
0x5d: {  	_ =	shalt  }
0x5e: {  	_ =	shalt  }
0x5f: {  	_ =	shalt  }
0x60: {  	_ =	shalt  }
0x61: {  	_ =	shalt  }
0x62: {  	_ =	shalt  }
0x63: {  	_ =	shalt  }
0x64: {  	_ =	shalt  }
0x65: {  	_ =	shalt  }
0x66: {  	_ =	shalt  }
0x67: {  	_ =	shalt  }
0x68: {  	_ =	shalt  }
0x69: {  	_ =	shalt  }
0x6a: {  	_ =	shalt  }
0x6b: {  	_ =	shalt  }
0x6c: {  	_ =	shalt  }
0x6d: {  	_ =	shalt  }
0x6e: {  	_ =	shalt  }
0x6f: {  	_ =	shalt  }
0x70: {  	_ =	shalt  }
0x71: {  	_ =	shalt  }
0x72: {  	_ =	shalt  }
0x73: {  	_ =	shalt  }
0x74: {  	_ =	shalt  }
0x75: {  	_ =	shalt  }
0x76: {  	_ =	shalt  }
0x77: {  	_ =	shalt  }
0x78: {  	_ =	shalt  }
0x79: {  	_ =	shalt  }
0x7a: {  	_ =	shalt  }
0x7b: {  	_ =	shalt  }
0x7c: {  	_ =	shalt  }
0x7d: {  	_ =	shalt  }
0x7e: {  	_ =	shalt  }
0x7f: {  	_ =	shalt  }
0x80: {  	_ =	shalt  }
0x81: {  	_ =	shalt  }
0x82: {  	_ =	shalt  }
0x83: {  	_ =	shalt  }
0x84: {  	_ =	shalt  }
0x85: {  	_ =	shalt  }
0x86: {  	_ =	shalt  }
0x87: {  	_ =	shalt  }
.Lfunc_end0:
.L_simem_size_0:
called_computation_lowered:
.L_overlay_start_0:
0x88: {  	s2 =	sld [smem:$0x3FD9]  }
0x89: {  	s3 =	sld [smem:$0x3FFE];
	_ =	sdelay $0x1  }
0x8a: {  	s1 =	srdreg.scid  }
0x8b: {  	s0 =	sand.u32 $0x1, s1  }
0x8c: {  	s17 =	sshll.u32 s0, $0xA;
	s2 =	sadd.s32 s3, s2  }
0x8d: {  	s2 =	sadd.s32 s2, s17  }
0x8e: {  	[smem:$0x3FBF] =	sst s2  }
0x8f: {  	_ = 	snop  }
0x90: {  	s2 =	sld [smem:$0x3FD0];
	(tm) =	ssettm $0x1  }
0x91: {  	s18 =	sld [smem:$0x3FFB];
	_ =	sdelay $0x3  }
0x92: {  	_ =	strace s18  }
0x93: {  	s3 =	sld [smem:$0x3FFC];
	_ =	sdelay $0x3  }
0x94: {  	_ =	strace s3  }
0x95: {  	s3 =	sld [smem:$0x3FFD];
	_ =	sdelay $0x3  }
0x96: {  	_ =	strace s3  }
0x97: {  	_ =	strace $0x8FFFFFFF  }
0x98: {  	s19 =	sld [smem:$0x3FDB];
	_ =	sdelay $0x1  }
0x99: {  	s4 =	simm.s32 $_scs_section_size  }
0x9a: {  	s5 =	simm.s32 $_size__tile_overlayer_lowered;
	s6 =	simm.s32 $_tile_overlayer_lowered  }
0x9b: {  	s22 =	simm.s32 $0x1BFF;
	s21 =	sshll.u32 s6, $0x1;
	s3 =	sadd.s32 s4, s19  }
0x9c: {  	s7 =	simm.s32 $0x0;
	s20 =	sshll.u32 s5, $0x1;
	s5 =	sadd.s32 s21, s3  }
0x9d: {  	[timem:s7], [sflag:s22] =	dma.local [hbm:s5], s20  }
0x9e: {  	_ =	swait.ge [sflag:s22], s20  }
0x9f: {  	s4 =	ssub.s32 $0x0, s20;
	[sflag:s22] =	ssyncset.done $0x0  }
0xa0: {  	[sflag:s22] =	ssyncadd.s32 s4;
	_ =	sdelay $0x1  }
0xa1: {  	s23 =	simm.s32 $0x1B8B  }
0xa2: {  	_ =	swait.ge [sflag:s23], $0x1  }
0xa3: {  	[sflag:s23] =	ssyncset.done $0x0  }
0xa4: {  	s25 =	simm.s32 $0x1B8E;
	s24 =	sld [smem:$0x3FFE];
	[sflag:s23] =	ssyncadd.s32 $0xFFFFFFFF  }
0xa5: {  	s26 =	simm.s32 $execute0_lowered;
	[smem:$0x3FD2] =	sst s25  }
0xa6: {  	s5 =	sshll.u32 s26, $0x1;
	_ =	strace $0x80000046;
	[dreg:$0x1] =	wrdreg $0xFFFFFFFF  }
0xa7: {  	s28 =	simm.s32 $_size_execute0_lowered;
	s3 =	sadd.s32 s3, s5;
	[dreg:$0x0] =	wrdreg $0x0  }
0xa8: {  	s5 =	sshll.u32 s28, $0x1;
	[dreg:$0x2] =	wrdreg s3  }
0xa9: {  	[dreg:$0x3] =	wrdreg s5  }
0xaa: {  	[dreg:$0x4] =	wrdreg $0xC0  }
0xab: {  	_ =	task [dreg:s7], $0x5FFFF  }
0xac: {  	[dreg:$0x1] =	wrdreg $0xFFFFFFFF  }
0xad: {  	[dreg:$0x0] =	wrdreg $0x60  }
0xae: {  	[dreg:$0x2] =	wrdreg s24  }
0xaf: {  	[dreg:$0x3] =	wrdreg s2  }
0xb0: {  	[dreg:$0x4] =	wrdreg $0xAA800  }
0xb1: {  	[dreg:$0x5] =	wrdreg $0x1E6800  }
0xb2: {  	[dreg:$0x6] =	wrdreg $0x9  }
0xb3: {  	_ =	task.clear_ibuf [dreg:s7], $0x7FFFF;
	_ =	strace $0x90000046  }
0xb4: {  	s29 =	simm.s32 $0x9;
	_ =	strace $0x80000048  }
0xb5: {  	_ =	swait.ge [sflag:s29], $0x1  }
0xb6: {  	[sflag:s29] =	ssyncadd.s32 $0xFFFFFFFF  }
0xb7: {  	_ =	strace $0x90000048  }
0xb8: {  	_ =	sfence  }
0xb9: {  	s30 =	sld [smem:$0x0];
	_ =	sdelay $0x2  }
0xba: {  	s31 =	sshll.u32 s1, $0xD;
	s1 =	sshrl.u32 s1, $0x2  }
0xbb: {  	s3 =	sand.u32 $0x4000, s31;
	s1 =	sadd.s32 s1, s30  }
0xbc: {  	s0 =	sor.u32 s3, s0;
	s1 =	sshll.u32 s1, $0x11  }
0xbd: {  	s0 =	sor.u32 s1, s0  }
0xbe: {  	s0 =	sadd.s32 $0x8F2B, s0  }
0xbf: {  	[sflag:s0] =	ssyncadd.remote.s32 $0x1  }
0xc0: {  	_ =	sfence.sel $0xFFFF  }
0xc1: {  	[dreg:$0x0] =	wrdreg $0xFFFFFFFF;
	(pc) =	sbr.abs _section_cstart, $3  }
0xc2: {  	[dreg:$0x1] =	wrdreg $0xFFFFFFFF  }
0xc3: {  	_ =	task.clear_ibuf [dreg:s7], $0x2FFFF;
	_ =	strace $0x9FFFFFFF  }
0xc4: {  	(tm) =	ssettm $0x7FFFFFFF  }
0xc5: {  	_ =	shalt  }
tec
execute0_lowered:
.L_overlay_start_1:
0x0: {  	(tag) =	ssettag $0x1  }
0x1: {  	s0 =	rddreg [dreg:$0x0]  }
0x2: {  	s1 =	rddreg [dreg:$0x1]  }
0x3: {  	s2 =	srdreg.scid;
	s3 =	rddreg [dreg:$0x2]  }
0x4: {  	s18 =	stileid.u32;
	s4 =	rddreg [dreg:$0x3]  }
0x5: {  	s29 =	simm.s32 $0x7;
	s30 =	simm.s32 $0x9;
	s10 =	smul.u32 $0x280, s18  }
0x6: {  	s2 =	sand.u32 $0x1, s2;
	s8 =	sshrl.u32 s18, $0x3;
	s20 =	smul.u32 $0x4F000, s18  }
0x7: {  	s7 =	sadd.s32 $0xBA00, s0;
	s15 =	sadd.s32 $0x5A200, s0;
	s9 =	smul.u32 $0x13C000, s2  }
0x8: {  	s16 =	sshll.u32 s18, $0x7;
	s24 =	sshll.u32 s18, $0x6;
	s12 =	smul.u32 $0x2800, s2  }
0x9: {  	s5 =	sshll.u32 s2, $0x4;
	s14 =	smul.u32 $0x1400, s8;
	s16 =	sand.u32 $0x380, s16  }
0xa: {  	s2 =	ssub.s32 $0x2, s2;
	s6 =	sor.u32 s18, s5;
	s5 =	simm.s32 $0x0  }
0xb: {  	s17 =	sshrl.u32 s10, $0x3;
	s22 =	sshrl.u32 s2, $0x1;
	s23 =	sshrl.u32 s20, $0x2  }
0xc: {  	s20 =	sadd.s32 s10, s4;
	s6 =	smul.u32 $0x2800, s6;
	[smem:$0x7FF] =	sst s5  }
0xd: {  	s12 =	sadd.s32 s12, s14;
	s19 =	sadd.s32 s17, s0;
	s2 =	ssub.s32 s2, s22  }
0xe: {  	s25 =	sadd.s32 s23, s3;
	s20 =	sshrl.u32 s20, $0x3;
	s22 =	simm.s32 $0x80  }
0xf: {  	s23 =	simm.s32 $0x2A00;
	_ =	strace $0x80000047;
	[dreg:$0x5] =	wrdreg s15  }
0x10: {  	s15 =	smul.u32 $0x13C00, s18;
	s12 =	sor.u32 s16, s12;
	s26 =	sadd.s32 $0x59C00, s19  }
0x11: {  	s16 =	smax.u32 s2, $0x1;
	s18 =	sshrl.u32 s25, $0x3;
	s19 =	simm.s32 $0xB  }
0x12: {  	s25 =	simm.s32 $0x5;
	s11 =	sshrl.u32 s6, $0x3;
	s12 =	sshrl.u32 s12, $0x3  }
0x13: {  	[dreg:$0x6] =	wrdreg s26;
	s26 =	simm.s32 $0xAA00;
	s9 =	sadd.s32 s15, s9  }
0x14: {  	s13 =	sadd.s32 s11, s0;
	s11 =	sadd.s32 s1, s11;
	s9 =	sshrl.u32 s9, $0x3  }
0x15: {  	s28 =	sadd.s32 $0x1A00, s13;
	s31 =	sadd.s32 $0x10, s11;
	s17 =	sadd.s32 $0x20, s11  }
0x16: {  	s21 =	sadd.s32 s9, s0;
	s0 =	sadd.s32 s12, s0;
	[dreg:$0x7] =	wrdreg s28  }
0x17: {  	s9 =	sor.u32 $0x1C0B, s24;
	[dreg:$0x8] =	wrdreg s31;
	s14 =	sadd.s32 $0x5CA00, s21  }
0x18: {  	v0 =	vimm.f32 $1.000000000e+00;
	s15 =	sadd.s32 $0xABA00, s0;
	s21 =	simm.s32 $0x200;
	s0 =	simm.s32 $0x0  }
.LBB2_1:
0x19: {  	s2 =	rddreg [dreg:$0x5]  }
0x1a: {  	[spmem:s18], [sflag:s9] =	dma.local [hbm:s2], $0x2780  }
0x1b: {  	_ =	swait.ge [sflag:s19], $0x2780  }
0x1c: {  	[sflag:s19] =	ssyncset.done $0x0  }
0x1d: {  	s8 =	rddreg [dreg:$0x6];
	[sflag:s19] =	ssyncadd.s32 $0xFFFFD880  }
0x1e: {  	[spmem:s20], [sflag:s9] =	dma.local [hbm:s8], $0x50  }
0x1f: {  	_ =	swait.ge [sflag:s19], $0x50  }
0x20: {  	[sflag:s19] =	ssyncset.done $0x0  }
0x21: {  	[sflag:s19] =	ssyncadd.s32 $0xFFFFFFB0  }
0x22: {  	[tilespmem:$0xAA00] =	vst v0  }
0x23: {  	[tilespmem:$0xAA10] =	vst v0  }
0x24: {  	[tilespmem:$0xAA20] =	vst v0  }
0x25: {  	[tilespmem:$0xAA30] =	vst v0  }
0x26: {  	[tilespmem:$0xAA40] =	vst v0  }
0x27: {  	[tilespmem:$0xAA50] =	vst v0  }
0x28: {  	[tilespmem:$0xAA60] =	vst v0  }
0x29: {  	s10 =	rddreg [dreg:$0x7];
	[tilespmem:$0xAA70] =	vst v0  }
0x2a: {  	[tilespmem:s21], [sflag:$0xB] =	stream.linear.gather [hbm4b:s10+s5], $0x2780, $0x38;
	[tilespmem:$0x1E900] =	vst v63  }
0x2b: {  	_ =	swait.ge [sflag:s19], $0x2780  }
0x2c: {  	[sflag:s19] =	ssyncset.done $0x0  }
0x2d: {  	[sflag:s19] =	ssyncadd.s32 $0xFFFFD880  }
0x2e: {  	[bflag:$0x0] =	sbarrier.arrive $0xFFFF  }
0x2f: {  	[tilespmem:s5], [sflag:$0xB] =	stream.linear.gather [hbm4b:s11+s5], $0x80, $0x38;
	[tilespmem:$0x1E900] =	vst v63  }
0x30: {  	_ =	swait.ge [sflag:s19], $0x80  }
0x31: {  	[sflag:s19] =	ssyncset.done $0x0  }
0x32: {  	s12 =	rddreg [dreg:$0x8];
	[sflag:s19] =	ssyncadd.s32 $0xFFFFFF80  }
0x33: {  	[tilespmem:s22], [sflag:$0xB] =	stream.linear.gather [hbm4b:s12+s5], $0x80, $0x38;
	[tilespmem:$0x1E900] =	vst v63  }
0x34: {  	_ =	swait.ge [sflag:s19], $0x80  }
0x35: {  	[sflag:s19] =	ssyncset.done $0x0  }
0x36: {  	[sflag:s19] =	ssyncadd.s32 $0xFFFFFF80  }
0x37: {  	[tilespmem:s23], [sflag:$0x5] =	stream.indirect.gather [hbm4b:s7+s22], $0x80, s5, s22, $0xb8;
	[tilespmem:$0x1E900] =	vst v63  }
0x38: {  	s13 =	simm.s32 $0x6A00  }
0x39: {  	[tilespmem:s13], [sflag:$0x6] =	stream.indirect.gather [hbm4b:s7+s22], $0x80, s22, s22, $0xb8;
	[tilespmem:$0x1E900] =	vst v63  }
0x3a: {  	_ =	swait.ge [sflag:s25], $0x4000  }
0x3b: {  	[sflag:s25] =	ssyncset.done $0x0  }
0x3c: {  	[sflag:s25] =	ssyncadd.s32 $0xFFFFC000  }
0x3d: {  	[spmem:s3] =	stream.indirect.scatter.add.f32 [tilespmem:s23], [sflag:$0x7], $0x80, s21, s22, $0xb8;
	[tilespmem:$0x1E900] =	vst v63  }
0x3e: {  	_ = 	snop  }
0x3f: {  	[spmem:s4] =	stream.indirect.scatter.add.f32 [tilespmem:s26], [sflag:$0x9], $0x1, s21, s22, $0xb8;
	[tilespmem:$0x1E900] =	vst v63  }
0x40: {  	s24 =	simm.s32 $0x100  }
0x41: {  	[tilespmem:s24], [sflag:$0x3] =	stream.linear.gather [hbm4b:s17+s5], $0x80, $0x38;
	[tilespmem:$0x1E900] =	vst v63  }
0x42: {  	s28 =	simm.s32 $0x280;
	s31 =	simm.s32 $0x180;
	s24 =	simm.s32 $0x3  }
.LBB2_2:
0x43: {  	s2 =	sadd.s32 $0xFFFFFFFE, s24  }
0x44: {  	s8 =	sand.u32 $0x1, s2  }
0x45: {  	s10 =	sadd.s32 $0x5, s8  }
0x46: {  	_ =	swait.ge [sflag:s10], $0x4000  }
0x47: {  	s12 =	sshll.u32 s8, $0xE;
	s13 =	sadd.s32 $0x7, s8;
	[sflag:s10] =	ssyncset.done $0x0  }
0x48: {  	s12 =	sor.u32 $0x2A00, s12;
	[sflag:s10] =	ssyncadd.s32 $0xFFFFC000;
	s10 =	sxor.u32 $0x1, s8  }
0x49: {  	[spmem:s3] =	stream.indirect.scatter.add.f32 [tilespmem:s12], [sflag:s13], $0x80, s28, s22, $0xb8;
	[tilespmem:$0x1E900] =	vst v63  }
0x4a: {  	s8 =	sadd.s32 $0x9, s8;
	s12 =	sadd.s32 $0x7, s10  }
0x4b: {  	[spmem:s4] =	stream.indirect.scatter.add.f32 [tilespmem:s26], [sflag:s8], $0x1, s28, s22, $0xb8;
	[tilespmem:$0x1E900] =	vst v63  }
0x4c: {  	_ =	swait.ge [sflag:s12], $0x4000  }
0x4d: {  	[sflag:s12] =	ssyncset.done $0x0  }
0x4e: {  	s13 =	sadd.s32 $0x9, s10;
	[sflag:s12] =	ssyncadd.s32 $0xFFFFC000  }
0x4f: {  	p0 =	seq.s32 s24, $0x50;
	s12 =	sadd.s32 $0xFFFFFFFF, s24;
	_ =	swait.ge [sflag:s13], $0x80  }
0x50: {  	s12 =	sand.u32 @!p0 $0x3, s12;
	[sflag:s13] =	ssyncset.done $0x0  }
0x51: {  	p1 =	sgt.u32 @!p0 s2, $0x4C;
	s8 =	sadd.s32 @!p0 $0x1, s12;
	[sflag:s13] =	ssyncadd.s32 $0xFFFFFF80  }
0x52: {  	p1 =	por p1, p0;
	_ =	swait.ge @!p0 [sflag:s8], $0x80  }
0x53: {  	s2 =	sand.u32 @!p1 $0x7C00, s31;
	[sflag:s8] =	ssyncset.done @!p0 $0x0  }
0x54: {  	s12 =	sshll.u32 @!p0 s12, $0x7;
	[sflag:s8] =	ssyncadd.s32 @!p0 $0xFFFFFF80;
	s8 =	sshll.u32 @!p0 s10, $0xE  }
0x55: {  	s13 =	simm.s32 @!p0 $0x80;
	s10 =	sadd.s32 @!p0 $0x5, s10;
	s8 =	sor.u32 @!p0 $0x2A00, s8  }
0x56: {  	[tilespmem:s8], [sflag:s10] =	stream.indirect.gather @!p0 [hbm4b:s7+s13], $0x80, s12, s13, $0xb8;
	[tilespmem:$0x1E900] =	vst v63  }
0x57: {  	s2 =	sadd.s32 @!p1 s6, s2;
	s8 =	sand.u32 @!p1 $0x380, s31  }
0x58: {  	s10 =	sand.u32 $0x3, s24;
	s2 =	sor.u32 @!p1 s8, s2  }
0x59: {  	s12 =	simm.s32 @!p1 $0x0;
	s24 =	sadd.s32 @!p0 $0x1, s24;
	s2 =	sshrl.u32 @!p1 s2, $0x3  }
0x5a: {  	s8 =	sshll.u32 @!p1 s10, $0x7;
	s10 =	sadd.s32 @!p1 $0x1, s10;
	s2 =	sadd.s32 @!p1 s1, s2  }
0x5b: {  	[tilespmem:s8], [sflag:s10] =	stream.linear.gather @!p1 [hbm4b:s2+s12], $0x80, $0x38;
	[tilespmem:$0x1E900] =	vst v63  }
0x5c: {  	p1 =	sne.s32 @!p0 s24, $0x51  }
0x5d: {  	p1 =	por p0, !p1  }
.Ltmp0:
0x5e: {  	_ = 	snop;
	(pc) =	sbr.rel @!p1 .LBB2_2-.Ltmp0, $2  }
0x5f: {  	_ =	sdelay $0x2  }
0x60: {  	s28 =	sadd.s32 @!p0 $0x80, s28;
	s31 =	sadd.s32 @!p0 $0x80, s31  }
0x61: {  	_ =	swait.ge [sflag:s29], $0x4000  }
0x62: {  	[sflag:s29] =	ssyncset.done $0x0  }
0x63: {  	[sflag:s29] =	ssyncadd.s32 $0xFFFFC000  }
0x64: {  	_ =	swait.ge [sflag:s30], $0x80  }
0x65: {  	[sflag:s30] =	ssyncset.done $0x0  }
0x66: {  	[sflag:s30] =	ssyncadd.s32 $0xFFFFFF80  }
0x67: {  	[bflag:$0x0] =	sbarrier.arrive $0xFFFF  }
0x68: {  	[hbm:s14], [sflag:s9] =	dma.local [spmem:s18], $0x2780  }
0x69: {  	s0 =	sadd.s32 $0x1, s0;
	_ =	swait.ge [sflag:s19], $0x2780  }
0x6a: {  	s2 =	simm.s32 $0x1;
	p0 =	sne.s32 s0, s16;
	[sflag:s19] =	ssyncset.done $0x0  }
.Ltmp1:
0x6b: {  	s8 =	simm.s32 $0x10;
	[sflag:s19] =	ssyncadd.s32 $0xFFFFD880;
	(pc) =	sbr.rel @p0 .LBB2_1-.Ltmp1, $4  }
0x6c: {  	[hbm:s15@s22], [sflag:s9] =	dma.strided [spmem:s20@s8], $0x50, s2, $0x10   }
0x6d: {  	_ =	swait.ge [sflag:s19], $0x50  }
0x6e: {  	[sflag:s19] =	ssyncset.done $0x0  }
0x6f: {  	[sflag:s19] =	ssyncadd.s32 $0xFFFFFFB0  }
0x70: {  	_ =	sfence.sel $0x180000  }
0x71: {  	[bflag:$0x0] =	sbarrier.arrive $0xFFFF  }
0x72: {  	_ =	strace $0x90000047  }
0x73: {  	s0 =	stileid.u32;
	[bflag:$0x2] =	sbarrier.arrive $0xFFFF  }
0x74: {  	p0 =	sne.s32 s0, $0x0;
	s0 =	rddreg [dreg:$0x4]  }
0x75: {  	s0 =	sadd.s32 @!p0 $0x100000, s0  }
0x76: {  	[sflag:s0] =	ssyncadd.tile.s32 @!p0 $0x1;
	_ =	shalt  }
.Lfunc_end2:
_tile_overlayer_lowered:
.L_overlay_start_2:
0x77: {  	(tag) =	ssettag $0x2  }
0x78: {  	s0 =	rddreg [dreg:$0x0];
	s2 =	stileid.u32  }
0x79: {  	s1 =	rddreg [dreg:$0x1];
	p0 =	sne.s32 s2, $0x0  }
0x7a: {  	s3 =	rddreg [dreg:$0x2];
	[bflag:$0x3] =	sbarrier.arrive $0xFFFF;
	s2 =	simm.s32 @!p0 $0x1C0B  }
0x7b: {  	[timem:s3], [sflag:s2] =	dma.local @!p0 [hbm:s0], s1  }
0x7c: {  	s0 =	simm.s32 @!p0 $0xB  }
0x7d: {  	_ =	swait.ge @!p0 [sflag:s0], s1  }
0x7e: {  	s1 =	ssub.s32 @!p0 $0x0, s1;
	[sflag:s0] =	ssyncset.done @!p0 $0x0  }
0x7f: {  	[sflag:s0] =	ssyncadd.s32 @!p0 s1  }
0x80: {  	[bflag:$0x3] =	sbarrier.arrive $0xFFFF  }
0x81: {  	_ =	shalt  }

</sc_bundles>
